<compile_context>
chip_gen: v7x
topology: tpu7x:2x2x1
jax: 0.10.2.dev20260603
libtpu: 0.0.44.dev20260713+nightly
codegen_flags: <defaults>
</compile_context>

<pallas_src>
import functools

import jax
import jax.numpy as jnp
from jax import lax
from jax.experimental import pallas as pl
from jax.experimental.pallas import tpu as pltpu
from jax.experimental.pallas import tpu_sc as plsc

NC = 2
NS = 16
NW = NC * NS
LN = 128


def _mesh():
    return plsc.VectorSubcoreMesh(
        core_axis_name="c", subcore_axis_name="s", num_cores=NC, num_subcores=NS
    )


def _sc_degree(src_p, dst_p, r_acc):
    ch = src_p.shape[1]
    rpt = r_acc // NS

    def body(src_hbm, dst_hbm, degs_hbm, degd_hbm,
             src_v, dst_v, ones_v, zv, dsem, degs_sh, degd_sh):
        c = lax.axis_index("c")
        s = lax.axis_index("s")
        wid = s * NC + c
        pltpu.async_copy(src_hbm.at[wid], src_v, dsem)
        pltpu.async_copy(dst_hbm.at[wid], dst_v, dsem)
        for k in range(LN // 16):
            ones_v[pl.ds(k * 16, 16)] = jnp.ones((16,), jnp.float32)

        def _z(i, carry):
            zv[pl.ds(i * 16, 16)] = jnp.zeros((16,), jnp.float32)
            return carry
        lax.fori_loop(0, rpt // 16, _z, 0)
        pltpu.sync_copy(zv, degs_sh.at[pl.ds(s * rpt, rpt)])
        pltpu.sync_copy(zv, degd_sh.at[pl.ds(s * rpt, rpt)])
        pltpu.make_async_copy(src_hbm.at[wid], src_v, dsem).wait()
        pltpu.make_async_copy(dst_hbm.at[wid], dst_v, dsem).wait()
        plsc.subcore_barrier()

        def _chunk(j, carry):
            pltpu.async_copy(ones_v, degs_sh.at[src_v.at[j]], dsem, add=True)
            pltpu.async_copy(ones_v, degd_sh.at[dst_v.at[j]], dsem, add=True)
            return carry
        lax.fori_loop(0, ch, _chunk, 0)

        def _drain(j, carry):
            pltpu.make_async_copy(ones_v, degs_sh.at[src_v.at[j]], dsem).wait()
            pltpu.make_async_copy(ones_v, degd_sh.at[dst_v.at[j]], dsem).wait()
            return carry
        lax.fori_loop(0, ch, _drain, 0)
        plsc.subcore_barrier()
        pltpu.sync_copy(degs_sh.at[pl.ds(s * rpt, rpt)],
                        degs_hbm.at[c, pl.ds(s * rpt, rpt)])
        pltpu.sync_copy(degd_sh.at[pl.ds(s * rpt, rpt)],
                        degd_hbm.at[c, pl.ds(s * rpt, rpt)])

    f = pl.kernel(
        body,
        out_type=(jax.ShapeDtypeStruct((NC, r_acc), jnp.float32),
                  jax.ShapeDtypeStruct((NC, r_acc), jnp.float32)),
        mesh=_mesh(),
        scratch_types=[
            pltpu.VMEM((ch, LN), jnp.int32),
            pltpu.VMEM((ch, LN), jnp.int32),
            pltpu.VMEM((LN,), jnp.float32),
            pltpu.VMEM((rpt,), jnp.float32),
            pltpu.SemaphoreType.DMA,
            pltpu.VMEM_SHARED((r_acc,), jnp.float32),
            pltpu.VMEM_SHARED((r_acc,), jnp.float32),
        ],
    )
    return f(src_p, dst_p)


def _sc_aggregate(y2, src_p, dst_p):
    return _sc_aggregate_kernel(y2.shape[0] // 2, y2.shape[1],
                                dst_p.shape[1])(y2, src_p, dst_p)


@functools.lru_cache(maxsize=None)
def _sc_aggregate_kernel(r_acc, hd, ch):
    d = 2 * hd
    rpt = r_acc // NS
    NB = 4
    NA = 3

    def body(y_hbm, src_hbm, dst_hbm, out_hbm,
             src_v, dst_v, gbufs, gsem, ssem, acc):
        c = lax.axis_index("c")
        s = lax.axis_index("s")
        pltpu.async_copy(src_hbm.at[c, s], src_v, gsem)
        pltpu.async_copy(dst_hbm.at[s], dst_v, gsem)

        def _z(i, carry):
            for k in range(hd // 16):
                gbufs[0][i, pl.ds(k * 16, 16)] = jnp.zeros((16,), jnp.float32)
            return carry
        lax.fori_loop(0, LN, _z, 0)
        for k in range(rpt // LN):
            pltpu.async_copy(gbufs[0], acc.at[pl.ds(s * rpt + k * LN, LN)],
                             ssem)
        pltpu.make_async_copy(src_hbm.at[c, s], src_v, gsem).wait()
        pltpu.make_async_copy(dst_hbm.at[s], dst_v, gsem).wait()
        for k in range(rpt // LN):
            pltpu.make_async_copy(
                gbufs[0], acc.at[pl.ds(s * rpt + k * LN, LN)], ssem).wait()
        plsc.subcore_barrier()

        for j in range(NA):
            pltpu.async_copy(y_hbm.at[src_v.at[j]], gbufs[j], gsem)

        def _round(qq, carry):
            for b in range(NB):
                j = qq * NB + b
                pltpu.make_async_copy(y_hbm.at[src_v.at[j]], gbufs[b],
                                      gsem).wait()
                pltpu.async_copy(gbufs[b], acc.at[dst_v.at[j]], ssem,
                                 add=True)
                nb = (b + NA) % NB

                @pl.when(j + NA < ch)
                def _():
                    @pl.when(j >= NB - NA)
                    def _():
                        pltpu.make_async_copy(
                            gbufs[nb], acc.at[dst_v.at[j - (NB - NA)]],
                            ssem).wait()
                    pltpu.async_copy(y_hbm.at[src_v.at[j + NA]], gbufs[nb],
                                     gsem)
            return carry
        lax.fori_loop(0, ch // NB, _round, 0)
        for k in range(ch - NB, ch):
            pltpu.make_async_copy(gbufs[k % NB], acc.at[dst_v.at[k]],
                                  ssem).wait()

        plsc.subcore_barrier()
        pltpu.sync_copy(acc.at[pl.ds(s * rpt, rpt)],
                        out_hbm.at[pl.ds(s * rpt, rpt), pl.ds(c * hd, hd)])

    f = pl.kernel(
        body,
        out_type=jax.ShapeDtypeStruct((r_acc, d), jnp.float32),
        mesh=_mesh(),
        scratch_types=[
            pltpu.VMEM((ch, LN), jnp.int32),
            pltpu.VMEM((ch, LN), jnp.int32),
            [pltpu.VMEM((LN, hd), jnp.float32) for _ in range(NB)],
            pltpu.SemaphoreType.DMA,
            pltpu.SemaphoreType.DMA,
            pltpu.VMEM_SHARED((r_acc, hd), jnp.float32),
        ],
        compiler_params=pltpu.CompilerParams(use_tc_tiling_on_sc=False),
    )
    return f


def _tc_prescale(x, nsrc):
    def body(x_ref, n_ref, o_ref):
        o_ref[...] = x_ref[...] * n_ref[...]
    return pl.pallas_call(
        body, out_shape=jax.ShapeDtypeStruct(x.shape, jnp.float32),
    )(x, nsrc)


def _tc_mid(m, ndst, nsrc, w, b):
    def body(m_ref, nd_ref, ns_ref, w_ref, b_ref, o_ref):
        h = m_ref[...] * nd_ref[...]
        h = jnp.dot(h, w_ref[...], preferred_element_type=jnp.float32) + b_ref[...]
        o_ref[...] = jnp.maximum(h, 0.0) * ns_ref[...]
    return pl.pallas_call(
        body, out_shape=jax.ShapeDtypeStruct(m.shape, jnp.float32),
    )(m, ndst, nsrc, w, b)


def _tc_final(m, ndst, w, b, n):
    def body(m_ref, nd_ref, w_ref, b_ref, o_ref):
        h = m_ref[:n] * nd_ref[:n]
        o_ref[...] = jnp.dot(h, w_ref[...], preferred_element_type=jnp.float32) + b_ref[...]
    return pl.pallas_call(
        body, out_shape=jax.ShapeDtypeStruct((n, m.shape[1]), jnp.float32),
    )(m, ndst, w, b)


def _gcn(features, edge_index, W1, b1, W2, b2):
    n, d = features.shape
    e = edge_index.shape[1]
    hd = d // 2

    rpt = -(-n // (NS * LN)) * LN
    r_acc = rpt * NS
    n_dummy = r_acc - n

    src = edge_index[0]
    dst = edge_index[1]

    chd = -(-e // (NW * LN))
    e_padd = NW * chd * LN
    pad_d = n + (jnp.arange(e_padd - e, dtype=jnp.int32) % n_dummy)
    src_pd = jnp.concatenate([src, pad_d]).reshape(NW, chd, LN)
    dst_pd = jnp.concatenate([dst, pad_d]).reshape(NW, chd, LN)

    cha = -(-e // (NS * LN))
    cha = (cha + 15) // 16 * 16
    e_pada = NS * cha * LN
    pad_a = n + (jnp.arange(e_pada - e, dtype=jnp.int32) % n_dummy)
    src_a = jnp.concatenate([src, pad_a])
    dst_a = jnp.concatenate([dst, pad_a])
    src_pa = jnp.stack([2 * src_a, 2 * src_a + 1]).reshape(NC, NS, cha, LN)
    dst_pa = dst_a.reshape(NS, cha, LN)

    degs_p, degd_p = _sc_degree(src_pd, dst_pd, r_acc)
    deg_out = degs_p[0] + degs_p[1]
    deg_in = degd_p[0] + degd_p[1]
    nsrc = lax.rsqrt(jnp.clip(deg_out, 1.0))[:, None]
    ndst = lax.rsqrt(jnp.clip(deg_in, 1.0))[:, None]

    x_pad = jnp.pad(features, ((0, r_acc - n), (0, 0)))
    y1 = _tc_prescale(x_pad, nsrc)
    m1 = _sc_aggregate(y1.reshape(2 * r_acc, hd), src_pa, dst_pa)
    z = _tc_mid(m1, ndst, nsrc, W1, b1.reshape(1, d))
    m2 = _sc_aggregate(z.reshape(2 * r_acc, hd), src_pa, dst_pa)
    return _tc_final(m2, ndst, W2, b2.reshape(1, d), n)


def kernel(features, edge_index, W1, b1, W2, b2):
    return _gcn(features, edge_index, W1, b1, W2, b2)

# --- scband reference (transcript-rebuilt; emitter-appended) ---
"""Pipeline reference for scband-gcn-2250562863737 (READ-ONLY COPY).

The authoritative reference and input builder live on the scoring server;
editing this copy changes nothing except your own understanding.
"""

import jax, jax.numpy as jnp
import numpy as np

N, E, D_IN, D_HID, D_OUT = 10000, 320000, 128, 128, 128

def setup_inputs(seed: int = 0):
    key = jax.random.key(seed)
    ks = jax.random.split(key, 6)
    features = jax.random.normal(ks[0], (N, D_IN), dtype=jnp.float32)
    edge_index = jax.random.randint(ks[1], (2, E), 0, N, dtype=jnp.int32)
    W1 = jax.random.normal(ks[2], (D_IN, D_HID), dtype=jnp.float32) * 0.05
    b1 = jnp.zeros((D_HID,), dtype=jnp.float32)
    W2 = jax.random.normal(ks[3], (D_HID, D_OUT), dtype=jnp.float32) * 0.05
    b2 = jnp.zeros((D_OUT,), dtype=jnp.float32)
    return {"features": features, "edge_index": edge_index, "W1": W1, "b1": b1, "W2": W2, "b2": b2}

def _graph_conv(x, src, dst, W, b, act):
    n = x.shape[0]
    ones = jnp.ones((src.shape[0],), dtype=jnp.float32)
    deg_out = jax.ops.segment_sum(ones, src, num_segments=n)
    deg_in = jax.ops.segment_sum(ones, dst, num_segments=n)
    norm_src = jax.lax.rsqrt(jnp.clip(deg_out, 1.0))
    norm_dst = jax.lax.rsqrt(jnp.clip(deg_in, 1.0))
    h = x * norm_src[:, None]
    m = jax.ops.segment_sum(h[src], dst, num_segments=n)
    h = m * norm_dst[:, None]
    h = h @ W + b
    if act:
        h = jax.nn.relu(h)
    return h

def reference(features, edge_index, W1, b1, W2, b2):
    src = edge_index[0]
    dst = edge_index[1]
    h = _graph_conv(features, src, dst, W1, b1, act=True)
    # dropout with p=0.0 is identity
    h = _graph_conv(h, src, dst, W2, b2, act=False)
    return h

if __name__ == "__main__":
    import jax
    _d = setup_inputs()
    print(jax.jit(kernel)(*tuple(_d.values())))

</pallas_src>

<mosaic_0001>
#map = affine_map<(d0, d1) -> (0, 0)>
#map1 = affine_map<(d0, d1) -> (0, 0, 0, 0)>
#map2 = affine_map<(d0, d1) -> (0, 0, 0)>
module attributes {stable_mosaic.version = 14 : i64} {
  func.func @body(%arg0: i32, %arg1: i32, %arg2: memref<20480x64xf32, #tpu.memory_space<hbm>>, %arg3: memref<2x16x160x128xi32, #tpu.memory_space<hbm>>, %arg4: memref<16x160x128xi32, #tpu.memory_space<hbm>>, %arg5: memref<10240x128xf32, #tpu.memory_space<hbm>>, %arg6: memref<160x128xi32, #tpu.memory_space<vmem>>, %arg7: memref<160x128xi32, #tpu.memory_space<vmem>>, %arg8: memref<128x64xf32, #tpu.memory_space<vmem>>, %arg9: memref<128x64xf32, #tpu.memory_space<vmem>>, %arg10: memref<128x64xf32, #tpu.memory_space<vmem>>, %arg11: memref<128x64xf32, #tpu.memory_space<vmem>>, %arg12: memref<!tpu.dma_semaphore, #tpu.memory_space<semaphore_mem>>, %arg13: memref<!tpu.dma_semaphore, #tpu.memory_space<semaphore_mem>>, %arg14: memref<10240x64xf32, #tpu.memory_space<vmem_shared>>) attributes {dimension_semantics = [#tpu.dimension_semantics<core_parallel>, #tpu.dimension_semantics<subcore_parallel>], iteration_bounds = array<i64: 2, 16>, scalar_prefetch = 0 : i64, scratch_operands = 9 : i64, tpu.core_type = #tpu.core_type<sc_vector_subcore>, window_params = [{transform_indices = #map}, {transform_indices = #map1}, {transform_indices = #map2}, {transform_indices = #map}]} {
    %dma_start3A = arith.constant 0 : i32
    %dma_start3A_0 = arith.constant 0 : i32
    %dma_start3A_1 = tpu.memref_slice %arg3[%arg0, %arg1, %dma_start3A, %dma_start3A_0] : memref<2x16x160x128xi32, #tpu.memory_space<hbm>> -> memref<1x1x160x128xi32, #tpu.memory_space<hbm>>
    %dma_start3A_2 = tpu.memref_squeeze %dma_start3A_1 : memref<1x1x160x128xi32, #tpu.memory_space<hbm>> -> memref<160x128xi32, #tpu.memory_space<hbm>>
    %dma_start3A_3 = arith.constant 0 : i32
    %dma_start3A_4 = arith.constant 0 : i32
    %dma_start3A_5 = tpu.memref_slice %arg3[%arg0, %arg1, %dma_start3A_3, %dma_start3A_4] : memref<2x16x160x128xi32, #tpu.memory_space<hbm>> -> memref<1x1x160x128xi32, #tpu.memory_space<hbm>>
    %dma_start3A_6 = tpu.memref_squeeze %dma_start3A_5 : memref<1x1x160x128xi32, #tpu.memory_space<hbm>> -> memref<160x128xi32, #tpu.memory_space<hbm>>
    tpu.enqueue_dma source(%dma_start3A_6 : memref<160x128xi32, #tpu.memory_space<hbm>>) target(%arg6 : memref<160x128xi32, #tpu.memory_space<vmem>>) target_semaphore(%arg12 : memref<!tpu.dma_semaphore, #tpu.memory_space<semaphore_mem>>)
    %dma_start3A_7 = arith.constant 0 : i32
    %dma_start3A_8 = arith.constant 0 : i32
    %dma_start3A_9 = tpu.memref_slice %arg4[%arg1, %dma_start3A_7, %dma_start3A_8] : memref<16x160x128xi32, #tpu.memory_space<hbm>> -> memref<1x160x128xi32, #tpu.memory_space<hbm>>
    %dma_start3A_10 = tpu.memref_squeeze %dma_start3A_9 : memref<1x160x128xi32, #tpu.memory_space<hbm>> -> memref<160x128xi32, #tpu.memory_space<hbm>>
    %dma_start3A_11 = arith.constant 0 : i32
    %dma_start3A_12 = arith.constant 0 : i32
    %dma_start3A_13 = tpu.memref_slice %arg4[%arg1, %dma_start3A_11, %dma_start3A_12] : memref<16x160x128xi32, #tpu.memory_space<hbm>> -> memref<1x160x128xi32, #tpu.memory_space<hbm>>
    %dma_start3A_14 = tpu.memref_squeeze %dma_start3A_13 : memref<1x160x128xi32, #tpu.memory_space<hbm>> -> memref<160x128xi32, #tpu.memory_space<hbm>>
    tpu.enqueue_dma source(%dma_start3A_14 : memref<160x128xi32, #tpu.memory_space<hbm>>) target(%arg7 : memref<160x128xi32, #tpu.memory_space<vmem>>) target_semaphore(%arg12 : memref<!tpu.dma_semaphore, #tpu.memory_space<semaphore_mem>>)
    %scan3A = arith.constant 0 : i32
    %scan3A_15 = arith.constant 0 : i32
    %scan3A_16 = arith.constant 128 : i32
    %scan3A_17 = arith.addi %scan3A_15, %scan3A_16 : i32
    %scan3A_18 = arith.constant 1 : i32
    scf.for %scan3A_175 = %scan3A_15 to %scan3A_17 step %scan3A_18  : i32 {
      %broadcast_in_dim3A = arith.constant 0.000000e+00 : f32
      %broadcast_in_dim3A_176 = vector.broadcast %broadcast_in_dim3A : f32 to vector<16xf32>
      %swap3A = arith.index_cast %scan3A_175 : i32 to index
      %swap3A_177 = arith.constant 0 : index
      %swap3A_178 = tpu.vector_load %arg8[%swap3A, %swap3A_177] {strides = array<i32>} : memref<128x64xf32, #tpu.memory_space<vmem>>, vector<1x16xf32>,
      %swap3A_179 = vector.shape_cast %swap3A_178 : vector<1x16xf32> to vector<16xf32>
      %swap3A_180 = vector.shape_cast %broadcast_in_dim3A_176 : vector<16xf32> to vector<1x16xf32>
      tpu.vector_store %arg8[%swap3A, %swap3A_177], %swap3A_180 {strides = array<i32>} : memref<128x64xf32, #tpu.memory_space<vmem>>, vector<1x16xf32>,
      %broadcast_in_dim3A_181 = arith.constant 0.000000e+00 : f32
      %broadcast_in_dim3A_182 = vector.broadcast %broadcast_in_dim3A_181 : f32 to vector<16xf32>
      %swap3A_183 = arith.index_cast %scan3A_175 : i32 to index
      %swap3A_184 = arith.constant 16 : index
      %swap3A_185 = tpu.vector_load %arg8[%swap3A_183, %swap3A_184] {strides = array<i32>} : memref<128x64xf32, #tpu.memory_space<vmem>>, vector<1x16xf32>,
      %swap3A_186 = vector.shape_cast %swap3A_185 : vector<1x16xf32> to vector<16xf32>
      %swap3A_187 = vector.shape_cast %broadcast_in_dim3A_182 : vector<16xf32> to vector<1x16xf32>
      tpu.vector_store %arg8[%swap3A_183, %swap3A_184], %swap3A_187 {strides = array<i32>} : memref<128x64xf32, #tpu.memory_space<vmem>>, vector<1x16xf32>,
      %broadcast_in_dim3A_188 = arith.constant 0.000000e+00 : f32
      %broadcast_in_dim3A_189 = vector.broadcast %broadcast_in_dim3A_188 : f32 to vector<16xf32>
      %swap3A_190 = arith.index_cast %scan3A_175 : i32 to index
      %swap3A_191 = arith.constant 32 : index
      %swap3A_192 = tpu.vector_load %arg8[%swap3A_190, %swap3A_191] {strides = array<i32>} : memref<128x64xf32, #tpu.memory_space<vmem>>, vector<1x16xf32>,
      %swap3A_193 = vector.shape_cast %swap3A_192 : vector<1x16xf32> to vector<16xf32>
      %swap3A_194 = vector.shape_cast %broadcast_in_dim3A_189 : vector<16xf32> to vector<1x16xf32>
      tpu.vector_store %arg8[%swap3A_190, %swap3A_191], %swap3A_194 {strides = array<i32>} : memref<128x64xf32, #tpu.memory_space<vmem>>, vector<1x16xf32>,
      %broadcast_in_dim3A_195 = arith.constant 0.000000e+00 : f32
      %broadcast_in_dim3A_196 = vector.broadcast %broadcast_in_dim3A_195 : f32 to vector<16xf32>
      %swap3A_197 = arith.index_cast %scan3A_175 : i32 to index
      %swap3A_198 = arith.constant 48 : index
      %swap3A_199 = tpu.vector_load %arg8[%swap3A_197, %swap3A_198] {strides = array<i32>} : memref<128x64xf32, #tpu.memory_space<vmem>>, vector<1x16xf32>,
      %swap3A_200 = vector.shape_cast %swap3A_199 : vector<1x16xf32> to vector<16xf32>
      %swap3A_201 = vector.shape_cast %broadcast_in_dim3A_196 : vector<16xf32> to vector<1x16xf32>
      tpu.vector_store %arg8[%swap3A_197, %swap3A_198], %swap3A_201 {strides = array<i32>} : memref<128x64xf32, #tpu.memory_space<vmem>>, vector<1x16xf32>,
    }
    %scan3A_19 = arith.constant 128 : i32
    %mul3A = arith.constant 640 : i32
    %mul3A_20 = arith.muli %arg1, %mul3A : i32
    %add3A = arith.constant 0 : i32
    %add3A_21 = arith.addi %mul3A_20, %add3A : i32
    %dma_start3A_22 = arith.constant 0 : i32
    %dma_start3A_23 = tpu.memref_slice %arg14[%add3A_21, %dma_start3A_22] : memref<10240x64xf32, #tpu.memory_space<vmem_shared>> -> memref<128x64xf32, #tpu.memory_space<vmem_shared>>
    %dma_start3A_24 = arith.constant 0 : i32
    %dma_start3A_25 = tpu.memref_slice %arg14[%add3A_21, %dma_start3A_24] : memref<10240x64xf32, #tpu.memory_space<vmem_shared>> -> memref<128x64xf32, #tpu.memory_space<vmem_shared>>
    tpu.enqueue_dma source(%arg8 : memref<128x64xf32, #tpu.memory_space<vmem>>) target(%dma_start3A_25 : memref<128x64xf32, #tpu.memory_space<vmem_shared>>) target_semaphore(%arg13 : memref<!tpu.dma_semaphore, #tpu.memory_space<semaphore_mem>>)
    %mul3A_26 = arith.constant 640 : i32
    %mul3A_27 = arith.muli %arg1, %mul3A_26 : i32
    %add3A_28 = arith.constant 128 : i32
    %add3A_29 = arith.addi %mul3A_27, %add3A_28 : i32
    %dma_start3A_30 = arith.constant 0 : i32
    %dma_start3A_31 = tpu.memref_slice %arg14[%add3A_29, %dma_start3A_30] : memref<10240x64xf32, #tpu.memory_space<vmem_shared>> -> memref<128x64xf32, #tpu.memory_space<vmem_shared>>
    %dma_start3A_32 = arith.constant 0 : i32
    %dma_start3A_33 = tpu.memref_slice %arg14[%add3A_29, %dma_start3A_32] : memref<10240x64xf32, #tpu.memory_space<vmem_shared>> -> memref<128x64xf32, #tpu.memory_space<vmem_shared>>
    tpu.enqueue_dma source(%arg8 : memref<128x64xf32, #tpu.memory_space<vmem>>) target(%dma_start3A_33 : memref<128x64xf32, #tpu.memory_space<vmem_shared>>) target_semaphore(%arg13 : memref<!tpu.dma_semaphore, #tpu.memory_space<semaphore_mem>>)
    %mul3A_34 = arith.constant 640 : i32
    %mul3A_35 = arith.muli %arg1, %mul3A_34 : i32
    %add3A_36 = arith.constant 256 : i32
    %add3A_37 = arith.addi %mul3A_35, %add3A_36 : i32
    %dma_start3A_38 = arith.constant 0 : i32
    %dma_start3A_39 = tpu.memref_slice %arg14[%add3A_37, %dma_start3A_38] : memref<10240x64xf32, #tpu.memory_space<vmem_shared>> -> memref<128x64xf32, #tpu.memory_space<vmem_shared>>
    %dma_start3A_40 = arith.constant 0 : i32
    %dma_start3A_41 = tpu.memref_slice %arg14[%add3A_37, %dma_start3A_40] : memref<10240x64xf32, #tpu.memory_space<vmem_shared>> -> memref<128x64xf32, #tpu.memory_space<vmem_shared>>
    tpu.enqueue_dma source(%arg8 : memref<128x64xf32, #tpu.memory_space<vmem>>) target(%dma_start3A_41 : memref<128x64xf32, #tpu.memory_space<vmem_shared>>) target_semaphore(%arg13 : memref<!tpu.dma_semaphore, #tpu.memory_space<semaphore_mem>>)
    %mul3A_42 = arith.constant 640 : i32
    %mul3A_43 = arith.muli %arg1, %mul3A_42 : i32
    %add3A_44 = arith.constant 384 : i32
    %add3A_45 = arith.addi %mul3A_43, %add3A_44 : i32
    %dma_start3A_46 = arith.constant 0 : i32
    %dma_start3A_47 = tpu.memref_slice %arg14[%add3A_45, %dma_start3A_46] : memref<10240x64xf32, #tpu.memory_space<vmem_shared>> -> memref<128x64xf32, #tpu.memory_space<vmem_shared>>
    %dma_start3A_48 = arith.constant 0 : i32
    %dma_start3A_49 = tpu.memref_slice %arg14[%add3A_45, %dma_start3A_48] : memref<10240x64xf32, #tpu.memory_space<vmem_shared>> -> memref<128x64xf32, #tpu.memory_space<vmem_shared>>
    tpu.enqueue_dma source(%arg8 : memref<128x64xf32, #tpu.memory_space<vmem>>) target(%dma_start3A_49 : memref<128x64xf32, #tpu.memory_space<vmem_shared>>) target_semaphore(%arg13 : memref<!tpu.dma_semaphore, #tpu.memory_space<semaphore_mem>>)
    %mul3A_50 = arith.constant 640 : i32
    %mul3A_51 = arith.muli %arg1, %mul3A_50 : i32
    %add3A_52 = arith.constant 512 : i32
    %add3A_53 = arith.addi %mul3A_51, %add3A_52 : i32
    %dma_start3A_54 = arith.constant 0 : i32
    %dma_start3A_55 = tpu.memref_slice %arg14[%add3A_53, %dma_start3A_54] : memref<10240x64xf32, #tpu.memory_space<vmem_shared>> -> memref<128x64xf32, #tpu.memory_space<vmem_shared>>
    %dma_start3A_56 = arith.constant 0 : i32
    %dma_start3A_57 = tpu.memref_slice %arg14[%add3A_53, %dma_start3A_56] : memref<10240x64xf32, #tpu.memory_space<vmem_shared>> -> memref<128x64xf32, #tpu.memory_space<vmem_shared>>
    tpu.enqueue_dma source(%arg8 : memref<128x64xf32, #tpu.memory_space<vmem>>) target(%dma_start3A_57 : memref<128x64xf32, #tpu.memory_space<vmem_shared>>) target_semaphore(%arg13 : memref<!tpu.dma_semaphore, #tpu.memory_space<semaphore_mem>>)
    %dma_wait3A = arith.constant 0 : i32
    %dma_wait3A_58 = arith.constant 0 : i32
    %dma_wait3A_59 = tpu.memref_slice %arg3[%arg0, %arg1, %dma_wait3A, %dma_wait3A_58] : memref<2x16x160x128xi32, #tpu.memory_space<hbm>> -> memref<1x1x160x128xi32, #tpu.memory_space<hbm>>
    %dma_wait3A_60 = tpu.memref_squeeze %dma_wait3A_59 : memref<1x1x160x128xi32, #tpu.memory_space<hbm>> -> memref<160x128xi32, #tpu.memory_space<hbm>>
    %dma_wait3A_61 = arith.constant 0 : i32
    %dma_wait3A_62 = arith.constant 0 : i32
    %dma_wait3A_63 = tpu.memref_slice %arg3[%arg0, %arg1, %dma_wait3A_61, %dma_wait3A_62] : memref<2x16x160x128xi32, #tpu.memory_space<hbm>> -> memref<1x1x160x128xi32, #tpu.memory_space<hbm>>
    %dma_wait3A_64 = tpu.memref_squeeze %dma_wait3A_63 : memref<1x1x160x128xi32, #tpu.memory_space<hbm>> -> memref<160x128xi32, #tpu.memory_space<hbm>>
    tpu.wait_dma2 semaphore(%arg12 : memref<!tpu.dma_semaphore, #tpu.memory_space<semaphore_mem>>) src(%dma_wait3A_64 : memref<160x128xi32, #tpu.memory_space<hbm>>) dst(%arg6 : memref<160x128xi32, #tpu.memory_space<vmem>>)
    %dma_wait3A_65 = arith.constant 0 : i32
    %dma_wait3A_66 = arith.constant 0 : i32
    %dma_wait3A_67 = tpu.memref_slice %arg4[%arg1, %dma_wait3A_65, %dma_wait3A_66] : memref<16x160x128xi32, #tpu.memory_space<hbm>> -> memref<1x160x128xi32, #tpu.memory_space<hbm>>
    %dma_wait3A_68 = tpu.memref_squeeze %dma_wait3A_67 : memref<1x160x128xi32, #tpu.memory_space<hbm>> -> memref<160x128xi32, #tpu.memory_space<hbm>>
    %dma_wait3A_69 = arith.constant 0 : i32
    %dma_wait3A_70 = arith.constant 0 : i32
    %dma_wait3A_71 = tpu.memref_slice %arg4[%arg1, %dma_wait3A_69, %dma_wait3A_70] : memref<16x160x128xi32, #tpu.memory_space<hbm>> -> memref<1x160x128xi32, #tpu.memory_space<hbm>>
    %dma_wait3A_72 = tpu.memref_squeeze %dma_wait3A_71 : memref<1x160x128xi32, #tpu.memory_space<hbm>> -> memref<160x128xi32, #tpu.memory_space<hbm>>
    tpu.wait_dma2 semaphore(%arg12 : memref<!tpu.dma_semaphore, #tpu.memory_space<semaphore_mem>>) src(%dma_wait3A_72 : memref<160x128xi32, #tpu.memory_space<hbm>>) dst(%arg7 : memref<160x128xi32, #tpu.memory_space<vmem>>)
    %mul3A_73 = arith.constant 640 : i32
    %mul3A_74 = arith.muli %arg1, %mul3A_73 : i32
    %add3A_75 = arith.constant 0 : i32
    %add3A_76 = arith.addi %mul3A_74, %add3A_75 : i32
    %dma_wait3A_77 = arith.constant 0 : i32
    %dma_wait3A_78 = tpu.memref_slice %arg14[%add3A_76, %dma_wait3A_77] : memref<10240x64xf32, #tpu.memory_space<vmem_shared>> -> memref<128x64xf32, #tpu.memory_space<vmem_shared>>
    %dma_wait3A_79 = arith.constant 0 : i32
    %dma_wait3A_80 = tpu.memref_slice %arg14[%add3A_76, %dma_wait3A_79] : memref<10240x64xf32, #tpu.memory_space<vmem_shared>> -> memref<128x64xf32, #tpu.memory_space<vmem_shared>>
    tpu.wait_dma2 semaphore(%arg13 : memref<!tpu.dma_semaphore, #tpu.memory_space<semaphore_mem>>) src(%arg8 : memref<128x64xf32, #tpu.memory_space<vmem>>) dst(%dma_wait3A_80 : memref<128x64xf32, #tpu.memory_space<vmem_shared>>)
    %mul3A_81 = arith.constant 640 : i32
    %mul3A_82 = arith.muli %arg1, %mul3A_81 : i32
    %add3A_83 = arith.constant 128 : i32
    %add3A_84 = arith.addi %mul3A_82, %add3A_83 : i32
    %dma_wait3A_85 = arith.constant 0 : i32
    %dma_wait3A_86 = tpu.memref_slice %arg14[%add3A_84, %dma_wait3A_85] : memref<10240x64xf32, #tpu.memory_space<vmem_shared>> -> memref<128x64xf32, #tpu.memory_space<vmem_shared>>
    %dma_wait3A_87 = arith.constant 0 : i32
    %dma_wait3A_88 = tpu.memref_slice %arg14[%add3A_84, %dma_wait3A_87] : memref<10240x64xf32, #tpu.memory_space<vmem_shared>> -> memref<128x64xf32, #tpu.memory_space<vmem_shared>>
    tpu.wait_dma2 semaphore(%arg13 : memref<!tpu.dma_semaphore, #tpu.memory_space<semaphore_mem>>) src(%arg8 : memref<128x64xf32, #tpu.memory_space<vmem>>) dst(%dma_wait3A_88 : memref<128x64xf32, #tpu.memory_space<vmem_shared>>)
    %mul3A_89 = arith.constant 640 : i32
    %mul3A_90 = arith.muli %arg1, %mul3A_89 : i32
    %add3A_91 = arith.constant 256 : i32
    %add3A_92 = arith.addi %mul3A_90, %add3A_91 : i32
    %dma_wait3A_93 = arith.constant 0 : i32
    %dma_wait3A_94 = tpu.memref_slice %arg14[%add3A_92, %dma_wait3A_93] : memref<10240x64xf32, #tpu.memory_space<vmem_shared>> -> memref<128x64xf32, #tpu.memory_space<vmem_shared>>
    %dma_wait3A_95 = arith.constant 0 : i32
    %dma_wait3A_96 = tpu.memref_slice %arg14[%add3A_92, %dma_wait3A_95] : memref<10240x64xf32, #tpu.memory_space<vmem_shared>> -> memref<128x64xf32, #tpu.memory_space<vmem_shared>>
    tpu.wait_dma2 semaphore(%arg13 : memref<!tpu.dma_semaphore, #tpu.memory_space<semaphore_mem>>) src(%arg8 : memref<128x64xf32, #tpu.memory_space<vmem>>) dst(%dma_wait3A_96 : memref<128x64xf32, #tpu.memory_space<vmem_shared>>)
    %mul3A_97 = arith.constant 640 : i32
    %mul3A_98 = arith.muli %arg1, %mul3A_97 : i32
    %add3A_99 = arith.constant 384 : i32
    %add3A_100 = arith.addi %mul3A_98, %add3A_99 : i32
    %dma_wait3A_101 = arith.constant 0 : i32
    %dma_wait3A_102 = tpu.memref_slice %arg14[%add3A_100, %dma_wait3A_101] : memref<10240x64xf32, #tpu.memory_space<vmem_shared>> -> memref<128x64xf32, #tpu.memory_space<vmem_shared>>
    %dma_wait3A_103 = arith.constant 0 : i32
    %dma_wait3A_104 = tpu.memref_slice %arg14[%add3A_100, %dma_wait3A_103] : memref<10240x64xf32, #tpu.memory_space<vmem_shared>> -> memref<128x64xf32, #tpu.memory_space<vmem_shared>>
    tpu.wait_dma2 semaphore(%arg13 : memref<!tpu.dma_semaphore, #tpu.memory_space<semaphore_mem>>) src(%arg8 : memref<128x64xf32, #tpu.memory_space<vmem>>) dst(%dma_wait3A_104 : memref<128x64xf32, #tpu.memory_space<vmem_shared>>)
    %mul3A_105 = arith.constant 640 : i32
    %mul3A_106 = arith.muli %arg1, %mul3A_105 : i32
    %add3A_107 = arith.constant 512 : i32
    %add3A_108 = arith.addi %mul3A_106, %add3A_107 : i32
    %dma_wait3A_109 = arith.constant 0 : i32
    %dma_wait3A_110 = tpu.memref_slice %arg14[%add3A_108, %dma_wait3A_109] : memref<10240x64xf32, #tpu.memory_space<vmem_shared>> -> memref<128x64xf32, #tpu.memory_space<vmem_shared>>
    %dma_wait3A_111 = arith.constant 0 : i32
    %dma_wait3A_112 = tpu.memref_slice %arg14[%add3A_108, %dma_wait3A_111] : memref<10240x64xf32, #tpu.memory_space<vmem_shared>> -> memref<128x64xf32, #tpu.memory_space<vmem_shared>>
    tpu.wait_dma2 semaphore(%arg13 : memref<!tpu.dma_semaphore, #tpu.memory_space<semaphore_mem>>) src(%arg8 : memref<128x64xf32, #tpu.memory_space<vmem>>) dst(%dma_wait3A_112 : memref<128x64xf32, #tpu.memory_space<vmem_shared>>)
    %barrier3A = arith.constant 0 : index
    tpu.barrier barrier_id(%barrier3A)
    %dma_start3A_113 = arith.constant 0 : i32
    %dma_start3A_114 = arith.constant 0 : i32
    %dma_start3A_115 = tpu.memref_slice %arg6[%dma_start3A_113, %dma_start3A_114] : memref<160x128xi32, #tpu.memory_space<vmem>> -> memref<1x128xi32, #tpu.memory_space<vmem>>
    %dma_start3A_116 = tpu.memref_squeeze %dma_start3A_115 : memref<1x128xi32, #tpu.memory_space<vmem>> -> memref<128xi32, #tpu.memory_space<vmem>>
    %dma_start3A_117 = arith.constant 0 : i32
    %dma_start3A_118 = arith.constant 0 : i32
    %dma_start3A_119 = tpu.memref_slice %arg2[%dma_start3A_117, %dma_start3A_118] : memref<20480x64xf32, #tpu.memory_space<hbm>> -> memref<20480x64xf32, #tpu.memory_space<hbm>>
    tpu.enqueue_indirect_dma source(%dma_start3A_119 : memref<20480x64xf32, #tpu.memory_space<hbm>>) target(%arg8 : memref<128x64xf32, #tpu.memory_space<vmem>>) offsets(%dma_start3A_116 : memref<128xi32, #tpu.memory_space<vmem>>) semaphore(%arg12 : memref<!tpu.dma_semaphore, #tpu.memory_space<semaphore_mem>>)
    %dma_start3A_120 = arith.constant 1 : i32
    %dma_start3A_121 = arith.constant 0 : i32
    %dma_start3A_122 = tpu.memref_slice %arg6[%dma_start3A_120, %dma_start3A_121] : memref<160x128xi32, #tpu.memory_space<vmem>> -> memref<1x128xi32, #tpu.memory_space<vmem>>
    %dma_start3A_123 = tpu.memref_squeeze %dma_start3A_122 : memref<1x128xi32, #tpu.memory_space<vmem>> -> memref<128xi32, #tpu.memory_space<vmem>>
    %dma_start3A_124 = arith.constant 0 : i32
    %dma_start3A_125 = arith.constant 0 : i32
    %dma_start3A_126 = tpu.memref_slice %arg2[%dma_start3A_124, %dma_start3A_125] : memref<20480x64xf32, #tpu.memory_space<hbm>> -> memref<20480x64xf32, #tpu.memory_space<hbm>>
    tpu.enqueue_indirect_dma source(%dma_start3A_126 : memref<20480x64xf32, #tpu.memory_space<hbm>>) target(%arg9 : memref<128x64xf32, #tpu.memory_space<vmem>>) offsets(%dma_start3A_123 : memref<128xi32, #tpu.memory_space<vmem>>) semaphore(%arg12 : memref<!tpu.dma_semaphore, #tpu.memory_space<semaphore_mem>>)
    %dma_start3A_127 = arith.constant 2 : i32
    %dma_start3A_128 = arith.constant 0 : i32
    %dma_start3A_129 = tpu.memref_slice %arg6[%dma_start3A_127, %dma_start3A_128] : memref<160x128xi32, #tpu.memory_space<vmem>> -> memref<1x128xi32, #tpu.memory_space<vmem>>
    %dma_start3A_130 = tpu.memref_squeeze %dma_start3A_129 : memref<1x128xi32, #tpu.memory_space<vmem>> -> memref<128xi32, #tpu.memory_space<vmem>>
    %dma_start3A_131 = arith.constant 0 : i32
    %dma_start3A_132 = arith.constant 0 : i32
    %dma_start3A_133 = tpu.memref_slice %arg2[%dma_start3A_131, %dma_start3A_132] : memref<20480x64xf32, #tpu.memory_space<hbm>> -> memref<20480x64xf32, #tpu.memory_space<hbm>>
    tpu.enqueue_indirect_dma source(%dma_start3A_133 : memref<20480x64xf32, #tpu.memory_space<hbm>>) target(%arg10 : memref<128x64xf32, #tpu.memory_space<vmem>>) offsets(%dma_start3A_130 : memref<128xi32, #tpu.memory_space<vmem>>) semaphore(%arg12 : memref<!tpu.dma_semaphore, #tpu.memory_space<semaphore_mem>>)
    %scan3A_134 = arith.constant 0 : i32
    %scan3A_135 = arith.constant 0 : i32
    %scan3A_136 = arith.constant 40 : i32
    %scan3A_137 = arith.addi %scan3A_135, %scan3A_136 : i32
    %scan3A_138 = arith.constant 1 : i32
    scf.for %scan3A_175 = %scan3A_135 to %scan3A_137 step %scan3A_138  : i32 {
      %mul3A_176 = arith.constant 4 : i32
      %mul3A_177 = arith.muli %scan3A_175, %mul3A_176 : i32
      %add3A_178 = arith.constant 0 : i32
      %add3A_179 = arith.addi %mul3A_177, %add3A_178 : i32
      %dma_wait3A_180 = arith.constant 0 : i32
      %dma_wait3A_181 = tpu.memref_slice %arg6[%add3A_179, %dma_wait3A_180] : memref<160x128xi32, #tpu.memory_space<vmem>> -> memref<1x128xi32, #tpu.memory_space<vmem>>
      %dma_wait3A_182 = tpu.memref_squeeze %dma_wait3A_181 : memref<1x128xi32, #tpu.memory_space<vmem>> -> memref<128xi32, #tpu.memory_space<vmem>>
      %dma_wait3A_183 = arith.constant 0 : i32
      %dma_wait3A_184 = arith.constant 0 : i32
      %dma_wait3A_185 = tpu.memref_slice %arg2[%dma_wait3A_183, %dma_wait3A_184] : memref<20480x64xf32, #tpu.memory_space<hbm>> -> memref<20480x64xf32, #tpu.memory_space<hbm>>
      tpu.wait_indirect_dma semaphore(%arg12 : memref<!tpu.dma_semaphore, #tpu.memory_space<semaphore_mem>>) src(%dma_wait3A_185 : memref<20480x64xf32, #tpu.memory_space<hbm>>) dst(%arg8 : memref<128x64xf32, #tpu.memory_space<vmem>>)
      %dma_start3A_186 = arith.constant 0 : i32
      %dma_start3A_187 = tpu.memref_slice %arg7[%add3A_179, %dma_start3A_186] : memref<160x128xi32, #tpu.memory_space<vmem>> -> memref<1x128xi32, #tpu.memory_space<vmem>>
      %dma_start3A_188 = tpu.memref_squeeze %dma_start3A_187 : memref<1x128xi32, #tpu.memory_space<vmem>> -> memref<128xi32, #tpu.memory_space<vmem>>
      %dma_start3A_189 = arith.constant 0 : i32
      %dma_start3A_190 = arith.constant 0 : i32
      %dma_start3A_191 = tpu.memref_slice %arg14[%dma_start3A_189, %dma_start3A_190] : memref<10240x64xf32, #tpu.memory_space<vmem_shared>> -> memref<10240x64xf32, #tpu.memory_space<vmem_shared>>
      tpu.enqueue_indirect_dma source(%arg8 : memref<128x64xf32, #tpu.memory_space<vmem>>) target(%dma_start3A_191 : memref<10240x64xf32, #tpu.memory_space<vmem_shared>>) offsets(%dma_start3A_188 : memref<128xi32, #tpu.memory_space<vmem>>) semaphore(%arg13 : memref<!tpu.dma_semaphore, #tpu.memory_space<semaphore_mem>>) {add = true}
      %add3A_192 = arith.constant 3 : i32
      %add3A_193 = arith.addi %add3A_179, %add3A_192 : i32
      %lt3A = arith.constant 160 : i32
      %lt3A_194 = arith.cmpi slt, %add3A_193, %lt3A : i32
      %convert_element_type3A = arith.extui %lt3A_194 : i1 to i32
      %cond3A = arith.constant 0 : i32
      %cond3A_195 = arith.cmpi ne, %convert_element_type3A, %cond3A : i32
      scf.if %cond3A_195 {
        %ge3A = arith.constant 1 : i32
        %ge3A_265 = arith.cmpi sge, %add3A_179, %ge3A : i32
        %convert_element_type3A_266 = arith.extui %ge3A_265 : i1 to i32
        %cond3A_267 = arith.constant 0 : i32
        %cond3A_268 = arith.cmpi ne, %convert_element_type3A_266, %cond3A_267 : i32
        scf.if %cond3A_268 {
          %sub3A = arith.constant 1 : i32
          %sub3A_277 = arith.subi %add3A_179, %sub3A : i32
          %dma_wait3A_278 = arith.constant 0 : i32
          %dma_wait3A_279 = tpu.memref_slice %arg7[%sub3A_277, %dma_wait3A_278] : memref<160x128xi32, #tpu.memory_space<vmem>> -> memref<1x128xi32, #tpu.memory_space<vmem>>
          %dma_wait3A_280 = tpu.memref_squeeze %dma_wait3A_279 : memref<1x128xi32, #tpu.memory_space<vmem>> -> memref<128xi32, #tpu.memory_space<vmem>>
          %dma_wait3A_281 = arith.constant 0 : i32
          %dma_wait3A_282 = arith.constant 0 : i32
          %dma_wait3A_283 = tpu.memref_slice %arg14[%dma_wait3A_281, %dma_wait3A_282] : memref<10240x64xf32, #tpu.memory_space<vmem_shared>> -> memref<10240x64xf32, #tpu.memory_space<vmem_shared>>
          tpu.wait_indirect_dma semaphore(%arg13 : memref<!tpu.dma_semaphore, #tpu.memory_space<semaphore_mem>>) src(%arg11 : memref<128x64xf32, #tpu.memory_space<vmem>>) dst(%dma_wait3A_283 : memref<10240x64xf32, #tpu.memory_space<vmem_shared>>)
        } else {
        }
        %add3A_269 = arith.constant 3 : i32
        %add3A_270 = arith.addi %add3A_179, %add3A_269 : i32
        %dma_start3A_271 = arith.constant 0 : i32
        %dma_start3A_272 = tpu.memref_slice %arg6[%add3A_270, %dma_start3A_271] : memref<160x128xi32, #tpu.memory_space<vmem>> -> memref<1x128xi32, #tpu.memory_space<vmem>>
        %dma_start3A_273 = tpu.memref_squeeze %dma_start3A_272 : memref<1x128xi32, #tpu.memory_space<vmem>> -> memref<128xi32, #tpu.memory_space<vmem>>
        %dma_start3A_274 = arith.constant 0 : i32
        %dma_start3A_275 = arith.constant 0 : i32
        %dma_start3A_276 = tpu.memref_slice %arg2[%dma_start3A_274, %dma_start3A_275] : memref<20480x64xf32, #tpu.memory_space<hbm>> -> memref<20480x64xf32, #tpu.memory_space<hbm>>
        tpu.enqueue_indirect_dma source(%dma_start3A_276 : memref<20480x64xf32, #tpu.memory_space<hbm>>) target(%arg11 : memref<128x64xf32, #tpu.memory_space<vmem>>) offsets(%dma_start3A_273 : memref<128xi32, #tpu.memory_space<vmem>>) semaphore(%arg12 : memref<!tpu.dma_semaphore, #tpu.memory_space<semaphore_mem>>)
      } else {
      }
      %mul3A_196 = arith.constant 4 : i32
      %mul3A_197 = arith.muli %scan3A_175, %mul3A_196 : i32
      %add3A_198 = arith.constant 1 : i32
      %add3A_199 = arith.addi %mul3A_197, %add3A_198 : i32
      %dma_wait3A_200 = arith.constant 0 : i32
      %dma_wait3A_201 = tpu.memref_slice %arg6[%add3A_199, %dma_wait3A_200] : memref<160x128xi32, #tpu.memory_space<vmem>> -> memref<1x128xi32, #tpu.memory_space<vmem>>
      %dma_wait3A_202 = tpu.memref_squeeze %dma_wait3A_201 : memref<1x128xi32, #tpu.memory_space<vmem>> -> memref<128xi32, #tpu.memory_space<vmem>>
      %dma_wait3A_203 = arith.constant 0 : i32
      %dma_wait3A_204 = arith.constant 0 : i32
      %dma_wait3A_205 = tpu.memref_slice %arg2[%dma_wait3A_203, %dma_wait3A_204] : memref<20480x64xf32, #tpu.memory_space<hbm>> -> memref<20480x64xf32, #tpu.memory_space<hbm>>
      tpu.wait_indirect_dma semaphore(%arg12 : memref<!tpu.dma_semaphore, #tpu.memory_space<semaphore_mem>>) src(%dma_wait3A_205 : memref<20480x64xf32, #tpu.memory_space<hbm>>) dst(%arg9 : memref<128x64xf32, #tpu.memory_space<vmem>>)
      %dma_start3A_206 = arith.constant 0 : i32
      %dma_start3A_207 = tpu.memref_slice %arg7[%add3A_199, %dma_start3A_206] : memref<160x128xi32, #tpu.memory_space<vmem>> -> memref<1x128xi32, #tpu.memory_space<vmem>>
      %dma_start3A_208 = tpu.memref_squeeze %dma_start3A_207 : memref<1x128xi32, #tpu.memory_space<vmem>> -> memref<128xi32, #tpu.memory_space<vmem>>
      %dma_start3A_209 = arith.constant 0 : i32
      %dma_start3A_210 = arith.constant 0 : i32
      %dma_start3A_211 = tpu.memref_slice %arg14[%dma_start3A_209, %dma_start3A_210] : memref<10240x64xf32, #tpu.memory_space<vmem_shared>> -> memref<10240x64xf32, #tpu.memory_space<vmem_shared>>
      tpu.enqueue_indirect_dma source(%arg9 : memref<128x64xf32, #tpu.memory_space<vmem>>) target(%dma_start3A_211 : memref<10240x64xf32, #tpu.memory_space<vmem_shared>>) offsets(%dma_start3A_208 : memref<128xi32, #tpu.memory_space<vmem>>) semaphore(%arg13 : memref<!tpu.dma_semaphore, #tpu.memory_space<semaphore_mem>>) {add = true}
      %add3A_212 = arith.constant 3 : i32
      %add3A_213 = arith.addi %add3A_199, %add3A_212 : i32
      %lt3A_214 = arith.constant 160 : i32
      %lt3A_215 = arith.cmpi slt, %add3A_213, %lt3A_214 : i32
      %convert_element_type3A_216 = arith.extui %lt3A_215 : i1 to i32
      %cond3A_217 = arith.constant 0 : i32
      %cond3A_218 = arith.cmpi ne, %convert_element_type3A_216, %cond3A_217 : i32
      scf.if %cond3A_218 {
        %ge3A = arith.constant 1 : i32
        %ge3A_265 = arith.cmpi sge, %add3A_199, %ge3A : i32
        %convert_element_type3A_266 = arith.extui %ge3A_265 : i1 to i32
        %cond3A_267 = arith.constant 0 : i32
        %cond3A_268 = arith.cmpi ne, %convert_element_type3A_266, %cond3A_267 : i32
        scf.if %cond3A_268 {
          %sub3A = arith.constant 1 : i32
          %sub3A_277 = arith.subi %add3A_199, %sub3A : i32
          %dma_wait3A_278 = arith.constant 0 : i32
          %dma_wait3A_279 = tpu.memref_slice %arg7[%sub3A_277, %dma_wait3A_278] : memref<160x128xi32, #tpu.memory_space<vmem>> -> memref<1x128xi32, #tpu.memory_space<vmem>>
          %dma_wait3A_280 = tpu.memref_squeeze %dma_wait3A_279 : memref<1x128xi32, #tpu.memory_space<vmem>> -> memref<128xi32, #tpu.memory_space<vmem>>
          %dma_wait3A_281 = arith.constant 0 : i32
          %dma_wait3A_282 = arith.constant 0 : i32
          %dma_wait3A_283 = tpu.memref_slice %arg14[%dma_wait3A_281, %dma_wait3A_282] : memref<10240x64xf32, #tpu.memory_space<vmem_shared>> -> memref<10240x64xf32, #tpu.memory_space<vmem_shared>>
          tpu.wait_indirect_dma semaphore(%arg13 : memref<!tpu.dma_semaphore, #tpu.memory_space<semaphore_mem>>) src(%arg8 : memref<128x64xf32, #tpu.memory_space<vmem>>) dst(%dma_wait3A_283 : memref<10240x64xf32, #tpu.memory_space<vmem_shared>>)
        } else {
        }
        %add3A_269 = arith.constant 3 : i32
        %add3A_270 = arith.addi %add3A_199, %add3A_269 : i32
        %dma_start3A_271 = arith.constant 0 : i32
        %dma_start3A_272 = tpu.memref_slice %arg6[%add3A_270, %dma_start3A_271] : memref<160x128xi32, #tpu.memory_space<vmem>> -> memref<1x128xi32, #tpu.memory_space<vmem>>
        %dma_start3A_273 = tpu.memref_squeeze %dma_start3A_272 : memref<1x128xi32, #tpu.memory_space<vmem>> -> memref<128xi32, #tpu.memory_space<vmem>>
        %dma_start3A_274 = arith.constant 0 : i32
        %dma_start3A_275 = arith.constant 0 : i32
        %dma_start3A_276 = tpu.memref_slice %arg2[%dma_start3A_274, %dma_start3A_275] : memref<20480x64xf32, #tpu.memory_space<hbm>> -> memref<20480x64xf32, #tpu.memory_space<hbm>>
        tpu.enqueue_indirect_dma source(%dma_start3A_276 : memref<20480x64xf32, #tpu.memory_space<hbm>>) target(%arg8 : memref<128x64xf32, #tpu.memory_space<vmem>>) offsets(%dma_start3A_273 : memref<128xi32, #tpu.memory_space<vmem>>) semaphore(%arg12 : memref<!tpu.dma_semaphore, #tpu.memory_space<semaphore_mem>>)
      } else {
      }
      %mul3A_219 = arith.constant 4 : i32
      %mul3A_220 = arith.muli %scan3A_175, %mul3A_219 : i32
      %add3A_221 = arith.constant 2 : i32
      %add3A_222 = arith.addi %mul3A_220, %add3A_221 : i32
      %dma_wait3A_223 = arith.constant 0 : i32
      %dma_wait3A_224 = tpu.memref_slice %arg6[%add3A_222, %dma_wait3A_223] : memref<160x128xi32, #tpu.memory_space<vmem>> -> memref<1x128xi32, #tpu.memory_space<vmem>>
      %dma_wait3A_225 = tpu.memref_squeeze %dma_wait3A_224 : memref<1x128xi32, #tpu.memory_space<vmem>> -> memref<128xi32, #tpu.memory_space<vmem>>
      %dma_wait3A_226 = arith.constant 0 : i32
      %dma_wait3A_227 = arith.constant 0 : i32
      %dma_wait3A_228 = tpu.memref_slice %arg2[%dma_wait3A_226, %dma_wait3A_227] : memref<20480x64xf32, #tpu.memory_space<hbm>> -> memref<20480x64xf32, #tpu.memory_space<hbm>>
      tpu.wait_indirect_dma semaphore(%arg12 : memref<!tpu.dma_semaphore, #tpu.memory_space<semaphore_mem>>) src(%dma_wait3A_228 : memref<20480x64xf32, #tpu.memory_space<hbm>>) dst(%arg10 : memref<128x64xf32, #tpu.memory_space<vmem>>)
      %dma_start3A_229 = arith.constant 0 : i32
      %dma_start3A_230 = tpu.memref_slice %arg7[%add3A_222, %dma_start3A_229] : memref<160x128xi32, #tpu.memory_space<vmem>> -> memref<1x128xi32, #tpu.memory_space<vmem>>
      %dma_start3A_231 = tpu.memref_squeeze %dma_start3A_230 : memref<1x128xi32, #tpu.memory_space<vmem>> -> memref<128xi32, #tpu.memory_space<vmem>>
      %dma_start3A_232 = arith.constant 0 : i32
      %dma_start3A_233 = arith.constant 0 : i32
      %dma_start3A_234 = tpu.memref_slice %arg14[%dma_start3A_232, %dma_start3A_233] : memref<10240x64xf32, #tpu.memory_space<vmem_shared>> -> memref<10240x64xf32, #tpu.memory_space<vmem_shared>>
      tpu.enqueue_indirect_dma source(%arg10 : memref<128x64xf32, #tpu.memory_space<vmem>>) target(%dma_start3A_234 : memref<10240x64xf32, #tpu.memory_space<vmem_shared>>) offsets(%dma_start3A_231 : memref<128xi32, #tpu.memory_space<vmem>>) semaphore(%arg13 : memref<!tpu.dma_semaphore, #tpu.memory_space<semaphore_mem>>) {add = true}
      %add3A_235 = arith.constant 3 : i32
      %add3A_236 = arith.addi %add3A_222, %add3A_235 : i32
      %lt3A_237 = arith.constant 160 : i32
      %lt3A_238 = arith.cmpi slt, %add3A_236, %lt3A_237 : i32
      %convert_element_type3A_239 = arith.extui %lt3A_238 : i1 to i32
      %cond3A_240 = arith.constant 0 : i32
      %cond3A_241 = arith.cmpi ne, %convert_element_type3A_239, %cond3A_240 : i32
      scf.if %cond3A_241 {
        %ge3A = arith.constant 1 : i32
        %ge3A_265 = arith.cmpi sge, %add3A_222, %ge3A : i32
        %convert_element_type3A_266 = arith.extui %ge3A_265 : i1 to i32
        %cond3A_267 = arith.constant 0 : i32
        %cond3A_268 = arith.cmpi ne, %convert_element_type3A_266, %cond3A_267 : i32
        scf.if %cond3A_268 {
          %sub3A = arith.constant 1 : i32
          %sub3A_277 = arith.subi %add3A_222, %sub3A : i32
          %dma_wait3A_278 = arith.constant 0 : i32
          %dma_wait3A_279 = tpu.memref_slice %arg7[%sub3A_277, %dma_wait3A_278] : memref<160x128xi32, #tpu.memory_space<vmem>> -> memref<1x128xi32, #tpu.memory_space<vmem>>
          %dma_wait3A_280 = tpu.memref_squeeze %dma_wait3A_279 : memref<1x128xi32, #tpu.memory_space<vmem>> -> memref<128xi32, #tpu.memory_space<vmem>>
          %dma_wait3A_281 = arith.constant 0 : i32
          %dma_wait3A_282 = arith.constant 0 : i32
          %dma_wait3A_283 = tpu.memref_slice %arg14[%dma_wait3A_281, %dma_wait3A_282] : memref<10240x64xf32, #tpu.memory_space<vmem_shared>> -> memref<10240x64xf32, #tpu.memory_space<vmem_shared>>
          tpu.wait_indirect_dma semaphore(%arg13 : memref<!tpu.dma_semaphore, #tpu.memory_space<semaphore_mem>>) src(%arg9 : memref<128x64xf32, #tpu.memory_space<vmem>>) dst(%dma_wait3A_283 : memref<10240x64xf32, #tpu.memory_space<vmem_shared>>)
        } else {
        }
        %add3A_269 = arith.constant 3 : i32
        %add3A_270 = arith.addi %add3A_222, %add3A_269 : i32
        %dma_start3A_271 = arith.constant 0 : i32
        %dma_start3A_272 = tpu.memref_slice %arg6[%add3A_270, %dma_start3A_271] : memref<160x128xi32, #tpu.memory_space<vmem>> -> memref<1x128xi32, #tpu.memory_space<vmem>>
        %dma_start3A_273 = tpu.memref_squeeze %dma_start3A_272 : memref<1x128xi32, #tpu.memory_space<vmem>> -> memref<128xi32, #tpu.memory_space<vmem>>
        %dma_start3A_274 = arith.constant 0 : i32
        %dma_start3A_275 = arith.constant 0 : i32
        %dma_start3A_276 = tpu.memref_slice %arg2[%dma_start3A_274, %dma_start3A_275] : memref<20480x64xf32, #tpu.memory_space<hbm>> -> memref<20480x64xf32, #tpu.memory_space<hbm>>
        tpu.enqueue_indirect_dma source(%dma_start3A_276 : memref<20480x64xf32, #tpu.memory_space<hbm>>) target(%arg9 : memref<128x64xf32, #tpu.memory_space<vmem>>) offsets(%dma_start3A_273 : memref<128xi32, #tpu.memory_space<vmem>>) semaphore(%arg12 : memref<!tpu.dma_semaphore, #tpu.memory_space<semaphore_mem>>)
      } else {
      }
      %mul3A_242 = arith.constant 4 : i32
      %mul3A_243 = arith.muli %scan3A_175, %mul3A_242 : i32
      %add3A_244 = arith.constant 3 : i32
      %add3A_245 = arith.addi %mul3A_243, %add3A_244 : i32
      %dma_wait3A_246 = arith.constant 0 : i32
      %dma_wait3A_247 = tpu.memref_slice %arg6[%add3A_245, %dma_wait3A_246] : memref<160x128xi32, #tpu.memory_space<vmem>> -> memref<1x128xi32, #tpu.memory_space<vmem>>
      %dma_wait3A_248 = tpu.memref_squeeze %dma_wait3A_247 : memref<1x128xi32, #tpu.memory_space<vmem>> -> memref<128xi32, #tpu.memory_space<vmem>>
      %dma_wait3A_249 = arith.constant 0 : i32
      %dma_wait3A_250 = arith.constant 0 : i32
      %dma_wait3A_251 = tpu.memref_slice %arg2[%dma_wait3A_249, %dma_wait3A_250] : memref<20480x64xf32, #tpu.memory_space<hbm>> -> memref<20480x64xf32, #tpu.memory_space<hbm>>
      tpu.wait_indirect_dma semaphore(%arg12 : memref<!tpu.dma_semaphore, #tpu.memory_space<semaphore_mem>>) src(%dma_wait3A_251 : memref<20480x64xf32, #tpu.memory_space<hbm>>) dst(%arg11 : memref<128x64xf32, #tpu.memory_space<vmem>>)
      %dma_start3A_252 = arith.constant 0 : i32
      %dma_start3A_253 = tpu.memref_slice %arg7[%add3A_245, %dma_start3A_252] : memref<160x128xi32, #tpu.memory_space<vmem>> -> memref<1x128xi32, #tpu.memory_space<vmem>>
      %dma_start3A_254 = tpu.memref_squeeze %dma_start3A_253 : memref<1x128xi32, #tpu.memory_space<vmem>> -> memref<128xi32, #tpu.memory_space<vmem>>
      %dma_start3A_255 = arith.constant 0 : i32
      %dma_start3A_256 = arith.constant 0 : i32
      %dma_start3A_257 = tpu.memref_slice %arg14[%dma_start3A_255, %dma_start3A_256] : memref<10240x64xf32, #tpu.memory_space<vmem_shared>> -> memref<10240x64xf32, #tpu.memory_space<vmem_shared>>
      tpu.enqueue_indirect_dma source(%arg11 : memref<128x64xf32, #tpu.memory_space<vmem>>) target(%dma_start3A_257 : memref<10240x64xf32, #tpu.memory_space<vmem_shared>>) offsets(%dma_start3A_254 : memref<128xi32, #tpu.memory_space<vmem>>) semaphore(%arg13 : memref<!tpu.dma_semaphore, #tpu.memory_space<semaphore_mem>>) {add = true}
      %add3A_258 = arith.constant 3 : i32
      %add3A_259 = arith.addi %add3A_245, %add3A_258 : i32
      %lt3A_260 = arith.constant 160 : i32
      %lt3A_261 = arith.cmpi slt, %add3A_259, %lt3A_260 : i32
      %convert_element_type3A_262 = arith.extui %lt3A_261 : i1 to i32
      %cond3A_263 = arith.constant 0 : i32
      %cond3A_264 = arith.cmpi ne, %convert_element_type3A_262, %cond3A_263 : i32
      scf.if %cond3A_264 {
        %ge3A = arith.constant 1 : i32
        %ge3A_265 = arith.cmpi sge, %add3A_245, %ge3A : i32
        %convert_element_type3A_266 = arith.extui %ge3A_265 : i1 to i32
        %cond3A_267 = arith.constant 0 : i32
        %cond3A_268 = arith.cmpi ne, %convert_element_type3A_266, %cond3A_267 : i32
        scf.if %cond3A_268 {
          %sub3A = arith.constant 1 : i32
          %sub3A_277 = arith.subi %add3A_245, %sub3A : i32
          %dma_wait3A_278 = arith.constant 0 : i32
          %dma_wait3A_279 = tpu.memref_slice %arg7[%sub3A_277, %dma_wait3A_278] : memref<160x128xi32, #tpu.memory_space<vmem>> -> memref<1x128xi32, #tpu.memory_space<vmem>>
          %dma_wait3A_280 = tpu.memref_squeeze %dma_wait3A_279 : memref<1x128xi32, #tpu.memory_space<vmem>> -> memref<128xi32, #tpu.memory_space<vmem>>
          %dma_wait3A_281 = arith.constant 0 : i32
          %dma_wait3A_282 = arith.constant 0 : i32
          %dma_wait3A_283 = tpu.memref_slice %arg14[%dma_wait3A_281, %dma_wait3A_282] : memref<10240x64xf32, #tpu.memory_space<vmem_shared>> -> memref<10240x64xf32, #tpu.memory_space<vmem_shared>>
          tpu.wait_indirect_dma semaphore(%arg13 : memref<!tpu.dma_semaphore, #tpu.memory_space<semaphore_mem>>) src(%arg10 : memref<128x64xf32, #tpu.memory_space<vmem>>) dst(%dma_wait3A_283 : memref<10240x64xf32, #tpu.memory_space<vmem_shared>>)
        } else {
        }
        %add3A_269 = arith.constant 3 : i32
        %add3A_270 = arith.addi %add3A_245, %add3A_269 : i32
        %dma_start3A_271 = arith.constant 0 : i32
        %dma_start3A_272 = tpu.memref_slice %arg6[%add3A_270, %dma_start3A_271] : memref<160x128xi32, #tpu.memory_space<vmem>> -> memref<1x128xi32, #tpu.memory_space<vmem>>
        %dma_start3A_273 = tpu.memref_squeeze %dma_start3A_272 : memref<1x128xi32, #tpu.memory_space<vmem>> -> memref<128xi32, #tpu.memory_space<vmem>>
        %dma_start3A_274 = arith.constant 0 : i32
        %dma_start3A_275 = arith.constant 0 : i32
        %dma_start3A_276 = tpu.memref_slice %arg2[%dma_start3A_274, %dma_start3A_275] : memref<20480x64xf32, #tpu.memory_space<hbm>> -> memref<20480x64xf32, #tpu.memory_space<hbm>>
        tpu.enqueue_indirect_dma source(%dma_start3A_276 : memref<20480x64xf32, #tpu.memory_space<hbm>>) target(%arg10 : memref<128x64xf32, #tpu.memory_space<vmem>>) offsets(%dma_start3A_273 : memref<128xi32, #tpu.memory_space<vmem>>) semaphore(%arg12 : memref<!tpu.dma_semaphore, #tpu.memory_space<semaphore_mem>>)
      } else {
      }
    }
    %scan3A_139 = arith.constant 40 : i32
    %dma_wait3A_140 = arith.constant 156 : i32
    %dma_wait3A_141 = arith.constant 0 : i32
    %dma_wait3A_142 = tpu.memref_slice %arg7[%dma_wait3A_140, %dma_wait3A_141] : memref<160x128xi32, #tpu.memory_space<vmem>> -> memref<1x128xi32, #tpu.memory_space<vmem>>
    %dma_wait3A_143 = tpu.memref_squeeze %dma_wait3A_142 : memref<1x128xi32, #tpu.memory_space<vmem>> -> memref<128xi32, #tpu.memory_space<vmem>>
    %dma_wait3A_144 = arith.constant 0 : i32
    %dma_wait3A_145 = arith.constant 0 : i32
    %dma_wait3A_146 = tpu.memref_slice %arg14[%dma_wait3A_144, %dma_wait3A_145] : memref<10240x64xf32, #tpu.memory_space<vmem_shared>> -> memref<10240x64xf32, #tpu.memory_space<vmem_shared>>
    tpu.wait_indirect_dma semaphore(%arg13 : memref<!tpu.dma_semaphore, #tpu.memory_space<semaphore_mem>>) src(%arg8 : memref<128x64xf32, #tpu.memory_space<vmem>>) dst(%dma_wait3A_146 : memref<10240x64xf32, #tpu.memory_space<vmem_shared>>)
    %dma_wait3A_147 = arith.constant 157 : i32
    %dma_wait3A_148 = arith.constant 0 : i32
    %dma_wait3A_149 = tpu.memref_slice %arg7[%dma_wait3A_147, %dma_wait3A_148] : memref<160x128xi32, #tpu.memory_space<vmem>> -> memref<1x128xi32, #tpu.memory_space<vmem>>
    %dma_wait3A_150 = tpu.memref_squeeze %dma_wait3A_149 : memref<1x128xi32, #tpu.memory_space<vmem>> -> memref<128xi32, #tpu.memory_space<vmem>>
    %dma_wait3A_151 = arith.constant 0 : i32
    %dma_wait3A_152 = arith.constant 0 : i32
    %dma_wait3A_153 = tpu.memref_slice %arg14[%dma_wait3A_151, %dma_wait3A_152] : memref<10240x64xf32, #tpu.memory_space<vmem_shared>> -> memref<10240x64xf32, #tpu.memory_space<vmem_shared>>
    tpu.wait_indirect_dma semaphore(%arg13 : memref<!tpu.dma_semaphore, #tpu.memory_space<semaphore_mem>>) src(%arg9 : memref<128x64xf32, #tpu.memory_space<vmem>>) dst(%dma_wait3A_153 : memref<10240x64xf32, #tpu.memory_space<vmem_shared>>)
    %dma_wait3A_154 = arith.constant 158 : i32
    %dma_wait3A_155 = arith.constant 0 : i32
    %dma_wait3A_156 = tpu.memref_slice %arg7[%dma_wait3A_154, %dma_wait3A_155] : memref<160x128xi32, #tpu.memory_space<vmem>> -> memref<1x128xi32, #tpu.memory_space<vmem>>
    %dma_wait3A_157 = tpu.memref_squeeze %dma_wait3A_156 : memref<1x128xi32, #tpu.memory_space<vmem>> -> memref<128xi32, #tpu.memory_space<vmem>>
    %dma_wait3A_158 = arith.constant 0 : i32
    %dma_wait3A_159 = arith.constant 0 : i32
    %dma_wait3A_160 = tpu.memref_slice %arg14[%dma_wait3A_158, %dma_wait3A_159] : memref<10240x64xf32, #tpu.memory_space<vmem_shared>> -> memref<10240x64xf32, #tpu.memory_space<vmem_shared>>
    tpu.wait_indirect_dma semaphore(%arg13 : memref<!tpu.dma_semaphore, #tpu.memory_space<semaphore_mem>>) src(%arg10 : memref<128x64xf32, #tpu.memory_space<vmem>>) dst(%dma_wait3A_160 : memref<10240x64xf32, #tpu.memory_space<vmem_shared>>)
    %dma_wait3A_161 = arith.constant 159 : i32
    %dma_wait3A_162 = arith.constant 0 : i32
    %dma_wait3A_163 = tpu.memref_slice %arg7[%dma_wait3A_161, %dma_wait3A_162] : memref<160x128xi32, #tpu.memory_space<vmem>> -> memref<1x128xi32, #tpu.memory_space<vmem>>
    %dma_wait3A_164 = tpu.memref_squeeze %dma_wait3A_163 : memref<1x128xi32, #tpu.memory_space<vmem>> -> memref<128xi32, #tpu.memory_space<vmem>>
    %dma_wait3A_165 = arith.constant 0 : i32
    %dma_wait3A_166 = arith.constant 0 : i32
    %dma_wait3A_167 = tpu.memref_slice %arg14[%dma_wait3A_165, %dma_wait3A_166] : memref<10240x64xf32, #tpu.memory_space<vmem_shared>> -> memref<10240x64xf32, #tpu.memory_space<vmem_shared>>
    tpu.wait_indirect_dma semaphore(%arg13 : memref<!tpu.dma_semaphore, #tpu.memory_space<semaphore_mem>>) src(%arg11 : memref<128x64xf32, #tpu.memory_space<vmem>>) dst(%dma_wait3A_167 : memref<10240x64xf32, #tpu.memory_space<vmem_shared>>)
    %barrier3A_168 = arith.constant 0 : index
    tpu.barrier barrier_id(%barrier3A_168)
    %mul3A_169 = arith.constant 640 : i32
    %mul3A_170 = arith.muli %arg1, %mul3A_169 : i32
    %mul3A_171 = arith.constant 640 : i32
    %mul3A_172 = arith.muli %arg1, %mul3A_171 : i32
    %mul3A_173 = arith.constant 64 : i32
    %mul3A_174 = arith.muli %arg0, %mul3A_173 : i32
    "tpu.region"() ({
      %run_scoped3A = tpu.sem_alloc : memref<!tpu.dma_semaphore, #tpu.memory_space<semaphore_mem>>
      %dma_start3A_175 = tpu.memref_slice %arg5[%mul3A_172, %mul3A_174] : memref<10240x128xf32, #tpu.memory_space<hbm>> -> memref<640x64xf32, #tpu.memory_space<hbm>>
      %dma_start3A_176 = arith.constant 0 : i32
      %dma_start3A_177 = tpu.memref_slice %arg14[%mul3A_170, %dma_start3A_176] : memref<10240x64xf32, #tpu.memory_space<vmem_shared>> -> memref<640x64xf32, #tpu.memory_space<vmem_shared>>
      tpu.enqueue_dma source(%dma_start3A_177 : memref<640x64xf32, #tpu.memory_space<vmem_shared>>) target(%dma_start3A_175 : memref<640x64xf32, #tpu.memory_space<hbm>>) target_semaphore(%run_scoped3A : memref<!tpu.dma_semaphore, #tpu.memory_space<semaphore_mem>>)
      %dma_wait3A_178 = tpu.memref_slice %arg5[%mul3A_172, %mul3A_174] : memref<10240x128xf32, #tpu.memory_space<hbm>> -> memref<640x64xf32, #tpu.memory_space<hbm>>
      %dma_wait3A_179 = arith.constant 0 : i32
      %dma_wait3A_180 = tpu.memref_slice %arg14[%mul3A_170, %dma_wait3A_179] : memref<10240x64xf32, #tpu.memory_space<vmem_shared>> -> memref<640x64xf32, #tpu.memory_space<vmem_shared>>
      tpu.wait_dma2 semaphore(%run_scoped3A : memref<!tpu.dma_semaphore, #tpu.memory_space<semaphore_mem>>) src(%dma_wait3A_180 : memref<640x64xf32, #tpu.memory_space<vmem_shared>>) dst(%dma_wait3A_178 : memref<640x64xf32, #tpu.memory_space<hbm>>)
      tpu.yield
    }) : () -> ()
    return
  }
}

#map = affine_map<(d0, d1) -> (0, 0, 0)>
#map1 = affine_map<(d0, d1) -> (0, 0)>
module attributes {stable_mosaic.version = 14 : i64} {
  func.func @body(%arg0: i32, %arg1: i32, %arg2: memref<32x79x128xi32, #tpu.memory_space<hbm>>, %arg3: memref<32x79x128xi32, #tpu.memory_space<hbm>>, %arg4: memref<2x10240xf32, #tpu.memory_space<hbm>>, %arg5: memref<2x10240xf32, #tpu.memory_space<hbm>>, %arg6: memref<79x128xi32, #tpu.memory_space<vmem>>, %arg7: memref<79x128xi32, #tpu.memory_space<vmem>>, %arg8: memref<128xf32, #tpu.memory_space<vmem>>, %arg9: memref<640xf32, #tpu.memory_space<vmem>>, %arg10: memref<!tpu.dma_semaphore, #tpu.memory_space<semaphore_mem>>, %arg11: memref<10240xf32, #tpu.memory_space<vmem_shared>>, %arg12: memref<10240xf32, #tpu.memory_space<vmem_shared>>) attributes {dimension_semantics = [#tpu.dimension_semantics<core_parallel>, #tpu.dimension_semantics<subcore_parallel>], iteration_bounds = array<i64: 2, 16>, scalar_prefetch = 0 : i64, scratch_operands = 7 : i64, tpu.core_type = #tpu.core_type<sc_vector_subcore>, window_params = [{transform_indices = #map}, {transform_indices = #map}, {transform_indices = #map1}, {transform_indices = #map1}]} {
    %mul3A = arith.constant 2 : i32
    %mul3A_0 = arith.muli %arg1, %mul3A : i32
    %add3A = arith.addi %mul3A_0, %arg0 : i32
    %dma_start3A = arith.constant 0 : i32
    %dma_start3A_1 = arith.constant 0 : i32
    %dma_start3A_2 = tpu.memref_slice %arg2[%add3A, %dma_start3A, %dma_start3A_1] : memref<32x79x128xi32, #tpu.memory_space<hbm>> -> memref<1x79x128xi32, #tpu.memory_space<hbm>>
    %dma_start3A_3 = tpu.memref_squeeze %dma_start3A_2 : memref<1x79x128xi32, #tpu.memory_space<hbm>> -> memref<79x128xi32, #tpu.memory_space<hbm>>
    %dma_start3A_4 = arith.constant 0 : i32
    %dma_start3A_5 = arith.constant 0 : i32
    %dma_start3A_6 = tpu.memref_slice %arg2[%add3A, %dma_start3A_4, %dma_start3A_5] : memref<32x79x128xi32, #tpu.memory_space<hbm>> -> memref<1x79x128xi32, #tpu.memory_space<hbm>>
    %dma_start3A_7 = tpu.memref_squeeze %dma_start3A_6 : memref<1x79x128xi32, #tpu.memory_space<hbm>> -> memref<79x128xi32, #tpu.memory_space<hbm>>
    tpu.enqueue_dma source(%dma_start3A_7 : memref<79x128xi32, #tpu.memory_space<hbm>>) target(%arg6 : memref<79x128xi32, #tpu.memory_space<vmem>>) target_semaphore(%arg10 : memref<!tpu.dma_semaphore, #tpu.memory_space<semaphore_mem>>)
    %dma_start3A_8 = arith.constant 0 : i32
    %dma_start3A_9 = arith.constant 0 : i32
    %dma_start3A_10 = tpu.memref_slice %arg3[%add3A, %dma_start3A_8, %dma_start3A_9] : memref<32x79x128xi32, #tpu.memory_space<hbm>> -> memref<1x79x128xi32, #tpu.memory_space<hbm>>
    %dma_start3A_11 = tpu.memref_squeeze %dma_start3A_10 : memref<1x79x128xi32, #tpu.memory_space<hbm>> -> memref<79x128xi32, #tpu.memory_space<hbm>>
    %dma_start3A_12 = arith.constant 0 : i32
    %dma_start3A_13 = arith.constant 0 : i32
    %dma_start3A_14 = tpu.memref_slice %arg3[%add3A, %dma_start3A_12, %dma_start3A_13] : memref<32x79x128xi32, #tpu.memory_space<hbm>> -> memref<1x79x128xi32, #tpu.memory_space<hbm>>
    %dma_start3A_15 = tpu.memref_squeeze %dma_start3A_14 : memref<1x79x128xi32, #tpu.memory_space<hbm>> -> memref<79x128xi32, #tpu.memory_space<hbm>>
    tpu.enqueue_dma source(%dma_start3A_15 : memref<79x128xi32, #tpu.memory_space<hbm>>) target(%arg7 : memref<79x128xi32, #tpu.memory_space<vmem>>) target_semaphore(%arg10 : memref<!tpu.dma_semaphore, #tpu.memory_space<semaphore_mem>>)
    %broadcast_in_dim3A = arith.constant 1.000000e+00 : f32
    %broadcast_in_dim3A_16 = vector.broadcast %broadcast_in_dim3A : f32 to vector<16xf32>
    %swap3A = arith.constant 0 : index
    %swap3A_17 = tpu.vector_load %arg8[%swap3A] {strides = array<i32>} : memref<128xf32, #tpu.memory_space<vmem>>, vector<16xf32>,
    %swap3A_18 = vector.shape_cast %swap3A_17 : vector<16xf32> to vector<16xf32>
    %swap3A_19 = vector.shape_cast %broadcast_in_dim3A_16 : vector<16xf32> to vector<16xf32>
    tpu.vector_store %arg8[%swap3A], %swap3A_19 {strides = array<i32>} : memref<128xf32, #tpu.memory_space<vmem>>, vector<16xf32>,
    %broadcast_in_dim3A_20 = arith.constant 1.000000e+00 : f32
    %broadcast_in_dim3A_21 = vector.broadcast %broadcast_in_dim3A_20 : f32 to vector<16xf32>
    %swap3A_22 = arith.constant 16 : index
    %swap3A_23 = tpu.vector_load %arg8[%swap3A_22] {strides = array<i32>} : memref<128xf32, #tpu.memory_space<vmem>>, vector<16xf32>,
    %swap3A_24 = vector.shape_cast %swap3A_23 : vector<16xf32> to vector<16xf32>
    %swap3A_25 = vector.shape_cast %broadcast_in_dim3A_21 : vector<16xf32> to vector<16xf32>
    tpu.vector_store %arg8[%swap3A_22], %swap3A_25 {strides = array<i32>} : memref<128xf32, #tpu.memory_space<vmem>>, vector<16xf32>,
    %broadcast_in_dim3A_26 = arith.constant 1.000000e+00 : f32
    %broadcast_in_dim3A_27 = vector.broadcast %broadcast_in_dim3A_26 : f32 to vector<16xf32>
    %swap3A_28 = arith.constant 32 : index
    %swap3A_29 = tpu.vector_load %arg8[%swap3A_28] {strides = array<i32>} : memref<128xf32, #tpu.memory_space<vmem>>, vector<16xf32>,
    %swap3A_30 = vector.shape_cast %swap3A_29 : vector<16xf32> to vector<16xf32>
    %swap3A_31 = vector.shape_cast %broadcast_in_dim3A_27 : vector<16xf32> to vector<16xf32>
    tpu.vector_store %arg8[%swap3A_28], %swap3A_31 {strides = array<i32>} : memref<128xf32, #tpu.memory_space<vmem>>, vector<16xf32>,
    %broadcast_in_dim3A_32 = arith.constant 1.000000e+00 : f32
    %broadcast_in_dim3A_33 = vector.broadcast %broadcast_in_dim3A_32 : f32 to vector<16xf32>
    %swap3A_34 = arith.constant 48 : index
    %swap3A_35 = tpu.vector_load %arg8[%swap3A_34] {strides = array<i32>} : memref<128xf32, #tpu.memory_space<vmem>>, vector<16xf32>,
    %swap3A_36 = vector.shape_cast %swap3A_35 : vector<16xf32> to vector<16xf32>
    %swap3A_37 = vector.shape_cast %broadcast_in_dim3A_33 : vector<16xf32> to vector<16xf32>
    tpu.vector_store %arg8[%swap3A_34], %swap3A_37 {strides = array<i32>} : memref<128xf32, #tpu.memory_space<vmem>>, vector<16xf32>,
    %broadcast_in_dim3A_38 = arith.constant 1.000000e+00 : f32
    %broadcast_in_dim3A_39 = vector.broadcast %broadcast_in_dim3A_38 : f32 to vector<16xf32>
    %swap3A_40 = arith.constant 64 : index
    %swap3A_41 = tpu.vector_load %arg8[%swap3A_40] {strides = array<i32>} : memref<128xf32, #tpu.memory_space<vmem>>, vector<16xf32>,
    %swap3A_42 = vector.shape_cast %swap3A_41 : vector<16xf32> to vector<16xf32>
    %swap3A_43 = vector.shape_cast %broadcast_in_dim3A_39 : vector<16xf32> to vector<16xf32>
    tpu.vector_store %arg8[%swap3A_40], %swap3A_43 {strides = array<i32>} : memref<128xf32, #tpu.memory_space<vmem>>, vector<16xf32>,
    %broadcast_in_dim3A_44 = arith.constant 1.000000e+00 : f32
    %broadcast_in_dim3A_45 = vector.broadcast %broadcast_in_dim3A_44 : f32 to vector<16xf32>
    %swap3A_46 = arith.constant 80 : index
    %swap3A_47 = tpu.vector_load %arg8[%swap3A_46] {strides = array<i32>} : memref<128xf32, #tpu.memory_space<vmem>>, vector<16xf32>,
    %swap3A_48 = vector.shape_cast %swap3A_47 : vector<16xf32> to vector<16xf32>
    %swap3A_49 = vector.shape_cast %broadcast_in_dim3A_45 : vector<16xf32> to vector<16xf32>
    tpu.vector_store %arg8[%swap3A_46], %swap3A_49 {strides = array<i32>} : memref<128xf32, #tpu.memory_space<vmem>>, vector<16xf32>,
    %broadcast_in_dim3A_50 = arith.constant 1.000000e+00 : f32
    %broadcast_in_dim3A_51 = vector.broadcast %broadcast_in_dim3A_50 : f32 to vector<16xf32>
    %swap3A_52 = arith.constant 96 : index
    %swap3A_53 = tpu.vector_load %arg8[%swap3A_52] {strides = array<i32>} : memref<128xf32, #tpu.memory_space<vmem>>, vector<16xf32>,
    %swap3A_54 = vector.shape_cast %swap3A_53 : vector<16xf32> to vector<16xf32>
    %swap3A_55 = vector.shape_cast %broadcast_in_dim3A_51 : vector<16xf32> to vector<16xf32>
    tpu.vector_store %arg8[%swap3A_52], %swap3A_55 {strides = array<i32>} : memref<128xf32, #tpu.memory_space<vmem>>, vector<16xf32>,
    %broadcast_in_dim3A_56 = arith.constant 1.000000e+00 : f32
    %broadcast_in_dim3A_57 = vector.broadcast %broadcast_in_dim3A_56 : f32 to vector<16xf32>
    %swap3A_58 = arith.constant 112 : index
    %swap3A_59 = tpu.vector_load %arg8[%swap3A_58] {strides = array<i32>} : memref<128xf32, #tpu.memory_space<vmem>>, vector<16xf32>,
    %swap3A_60 = vector.shape_cast %swap3A_59 : vector<16xf32> to vector<16xf32>
    %swap3A_61 = vector.shape_cast %broadcast_in_dim3A_57 : vector<16xf32> to vector<16xf32>
    tpu.vector_store %arg8[%swap3A_58], %swap3A_61 {strides = array<i32>} : memref<128xf32, #tpu.memory_space<vmem>>, vector<16xf32>,
    %scan3A = arith.constant 0 : i32
    %scan3A_62 = arith.constant 0 : i32
    %scan3A_63 = arith.constant 40 : i32
    %scan3A_64 = arith.addi %scan3A_62, %scan3A_63 : i32
    %scan3A_65 = arith.constant 1 : i32
    scf.for %scan3A_107 = %scan3A_62 to %scan3A_64 step %scan3A_65  : i32 {
      %broadcast_in_dim3A_108 = arith.constant 0.000000e+00 : f32
      %broadcast_in_dim3A_109 = vector.broadcast %broadcast_in_dim3A_108 : f32 to vector<16xf32>
      %mul3A_110 = arith.constant 16 : i32
      %mul3A_111 = arith.muli %scan3A_107, %mul3A_110 : i32
      %swap3A_112 = arith.index_cast %mul3A_111 : i32 to index
      %swap3A_113 = tpu.vector_load %arg9[%swap3A_112] {strides = array<i32>} : memref<640xf32, #tpu.memory_space<vmem>>, vector<16xf32>,
      %swap3A_114 = vector.shape_cast %swap3A_113 : vector<16xf32> to vector<16xf32>
      %swap3A_115 = vector.shape_cast %broadcast_in_dim3A_109 : vector<16xf32> to vector<16xf32>
      tpu.vector_store %arg9[%swap3A_112], %swap3A_115 {strides = array<i32>} : memref<640xf32, #tpu.memory_space<vmem>>, vector<16xf32>,
    }
    %scan3A_66 = arith.constant 40 : i32
    %mul3A_67 = arith.constant 640 : i32
    %mul3A_68 = arith.muli %arg1, %mul3A_67 : i32
    "tpu.region"() ({
      %run_scoped3A = tpu.sem_alloc : memref<!tpu.dma_semaphore, #tpu.memory_space<semaphore_mem>>
      %dma_start3A_107 = tpu.memref_slice %arg11[%mul3A_68] : memref<10240xf32, #tpu.memory_space<vmem_shared>> -> memref<640xf32, #tpu.memory_space<vmem_shared>>
      %dma_start3A_108 = tpu.memref_slice %arg11[%mul3A_68] : memref<10240xf32, #tpu.memory_space<vmem_shared>> -> memref<640xf32, #tpu.memory_space<vmem_shared>>
      tpu.enqueue_dma source(%arg9 : memref<640xf32, #tpu.memory_space<vmem>>) target(%dma_start3A_108 : memref<640xf32, #tpu.memory_space<vmem_shared>>) target_semaphore(%run_scoped3A : memref<!tpu.dma_semaphore, #tpu.memory_space<semaphore_mem>>)
      %dma_wait3A_109 = tpu.memref_slice %arg11[%mul3A_68] : memref<10240xf32, #tpu.memory_space<vmem_shared>> -> memref<640xf32, #tpu.memory_space<vmem_shared>>
      %dma_wait3A_110 = tpu.memref_slice %arg11[%mul3A_68] : memref<10240xf32, #tpu.memory_space<vmem_shared>> -> memref<640xf32, #tpu.memory_space<vmem_shared>>
      tpu.wait_dma2 semaphore(%run_scoped3A : memref<!tpu.dma_semaphore, #tpu.memory_space<semaphore_mem>>) src(%arg9 : memref<640xf32, #tpu.memory_space<vmem>>) dst(%dma_wait3A_110 : memref<640xf32, #tpu.memory_space<vmem_shared>>)
      tpu.yield
    }) : () -> ()
    %mul3A_69 = arith.constant 640 : i32
    %mul3A_70 = arith.muli %arg1, %mul3A_69 : i32
    "tpu.region"() ({
      %run_scoped3A = tpu.sem_alloc : memref<!tpu.dma_semaphore, #tpu.memory_space<semaphore_mem>>
      %dma_start3A_107 = tpu.memref_slice %arg12[%mul3A_70] : memref<10240xf32, #tpu.memory_space<vmem_shared>> -> memref<640xf32, #tpu.memory_space<vmem_shared>>
      %dma_start3A_108 = tpu.memref_slice %arg12[%mul3A_70] : memref<10240xf32, #tpu.memory_space<vmem_shared>> -> memref<640xf32, #tpu.memory_space<vmem_shared>>
      tpu.enqueue_dma source(%arg9 : memref<640xf32, #tpu.memory_space<vmem>>) target(%dma_start3A_108 : memref<640xf32, #tpu.memory_space<vmem_shared>>) target_semaphore(%run_scoped3A : memref<!tpu.dma_semaphore, #tpu.memory_space<semaphore_mem>>)
      %dma_wait3A_109 = tpu.memref_slice %arg12[%mul3A_70] : memref<10240xf32, #tpu.memory_space<vmem_shared>> -> memref<640xf32, #tpu.memory_space<vmem_shared>>
      %dma_wait3A_110 = tpu.memref_slice %arg12[%mul3A_70] : memref<10240xf32, #tpu.memory_space<vmem_shared>> -> memref<640xf32, #tpu.memory_space<vmem_shared>>
      tpu.wait_dma2 semaphore(%run_scoped3A : memref<!tpu.dma_semaphore, #tpu.memory_space<semaphore_mem>>) src(%arg9 : memref<640xf32, #tpu.memory_space<vmem>>) dst(%dma_wait3A_110 : memref<640xf32, #tpu.memory_space<vmem_shared>>)
      tpu.yield
    }) : () -> ()
    %dma_wait3A = arith.constant 0 : i32
    %dma_wait3A_71 = arith.constant 0 : i32
    %dma_wait3A_72 = tpu.memref_slice %arg2[%add3A, %dma_wait3A, %dma_wait3A_71] : memref<32x79x128xi32, #tpu.memory_space<hbm>> -> memref<1x79x128xi32, #tpu.memory_space<hbm>>
    %dma_wait3A_73 = tpu.memref_squeeze %dma_wait3A_72 : memref<1x79x128xi32, #tpu.memory_space<hbm>> -> memref<79x128xi32, #tpu.memory_space<hbm>>
    %dma_wait3A_74 = arith.constant 0 : i32
    %dma_wait3A_75 = arith.constant 0 : i32
    %dma_wait3A_76 = tpu.memref_slice %arg2[%add3A, %dma_wait3A_74, %dma_wait3A_75] : memref<32x79x128xi32, #tpu.memory_space<hbm>> -> memref<1x79x128xi32, #tpu.memory_space<hbm>>
    %dma_wait3A_77 = tpu.memref_squeeze %dma_wait3A_76 : memref<1x79x128xi32, #tpu.memory_space<hbm>> -> memref<79x128xi32, #tpu.memory_space<hbm>>
    tpu.wait_dma2 semaphore(%arg10 : memref<!tpu.dma_semaphore, #tpu.memory_space<semaphore_mem>>) src(%dma_wait3A_77 : memref<79x128xi32, #tpu.memory_space<hbm>>) dst(%arg6 : memref<79x128xi32, #tpu.memory_space<vmem>>)
    %dma_wait3A_78 = arith.constant 0 : i32
    %dma_wait3A_79 = arith.constant 0 : i32
    %dma_wait3A_80 = tpu.memref_slice %arg3[%add3A, %dma_wait3A_78, %dma_wait3A_79] : memref<32x79x128xi32, #tpu.memory_space<hbm>> -> memref<1x79x128xi32, #tpu.memory_space<hbm>>
    %dma_wait3A_81 = tpu.memref_squeeze %dma_wait3A_80 : memref<1x79x128xi32, #tpu.memory_space<hbm>> -> memref<79x128xi32, #tpu.memory_space<hbm>>
    %dma_wait3A_82 = arith.constant 0 : i32
    %dma_wait3A_83 = arith.constant 0 : i32
    %dma_wait3A_84 = tpu.memref_slice %arg3[%add3A, %dma_wait3A_82, %dma_wait3A_83] : memref<32x79x128xi32, #tpu.memory_space<hbm>> -> memref<1x79x128xi32, #tpu.memory_space<hbm>>
    %dma_wait3A_85 = tpu.memref_squeeze %dma_wait3A_84 : memref<1x79x128xi32, #tpu.memory_space<hbm>> -> memref<79x128xi32, #tpu.memory_space<hbm>>
    tpu.wait_dma2 semaphore(%arg10 : memref<!tpu.dma_semaphore, #tpu.memory_space<semaphore_mem>>) src(%dma_wait3A_85 : memref<79x128xi32, #tpu.memory_space<hbm>>) dst(%arg7 : memref<79x128xi32, #tpu.memory_space<vmem>>)
    %barrier3A = arith.constant 0 : index
    tpu.barrier barrier_id(%barrier3A)
    %scan3A_86 = arith.constant 0 : i32
    %scan3A_87 = arith.constant 0 : i32
    %scan3A_88 = arith.constant 79 : i32
    %scan3A_89 = arith.addi %scan3A_87, %scan3A_88 : i32
    %scan3A_90 = arith.constant 1 : i32
    scf.for %scan3A_107 = %scan3A_87 to %scan3A_89 step %scan3A_90  : i32 {
      %dma_start3A_108 = arith.constant 0 : i32
      %dma_start3A_109 = tpu.memref_slice %arg6[%scan3A_107, %dma_start3A_108] : memref<79x128xi32, #tpu.memory_space<vmem>> -> memref<1x128xi32, #tpu.memory_space<vmem>>
      %dma_start3A_110 = tpu.memref_squeeze %dma_start3A_109 : memref<1x128xi32, #tpu.memory_space<vmem>> -> memref<128xi32, #tpu.memory_space<vmem>>
      %dma_start3A_111 = arith.constant 0 : i32
      %dma_start3A_112 = tpu.memref_slice %arg11[%dma_start3A_111] : memref<10240xf32, #tpu.memory_space<vmem_shared>> -> memref<10240xf32, #tpu.memory_space<vmem_shared>>
      tpu.enqueue_indirect_dma source(%arg8 : memref<128xf32, #tpu.memory_space<vmem>>) target(%dma_start3A_112 : memref<10240xf32, #tpu.memory_space<vmem_shared>>) offsets(%dma_start3A_110 : memref<128xi32, #tpu.memory_space<vmem>>) semaphore(%arg10 : memref<!tpu.dma_semaphore, #tpu.memory_space<semaphore_mem>>) {add = true}
      %dma_start3A_113 = arith.constant 0 : i32
      %dma_start3A_114 = tpu.memref_slice %arg7[%scan3A_107, %dma_start3A_113] : memref<79x128xi32, #tpu.memory_space<vmem>> -> memref<1x128xi32, #tpu.memory_space<vmem>>
      %dma_start3A_115 = tpu.memref_squeeze %dma_start3A_114 : memref<1x128xi32, #tpu.memory_space<vmem>> -> memref<128xi32, #tpu.memory_space<vmem>>
      %dma_start3A_116 = arith.constant 0 : i32
      %dma_start3A_117 = tpu.memref_slice %arg12[%dma_start3A_116] : memref<10240xf32, #tpu.memory_space<vmem_shared>> -> memref<10240xf32, #tpu.memory_space<vmem_shared>>
      tpu.enqueue_indirect_dma source(%arg8 : memref<128xf32, #tpu.memory_space<vmem>>) target(%dma_start3A_117 : memref<10240xf32, #tpu.memory_space<vmem_shared>>) offsets(%dma_start3A_115 : memref<128xi32, #tpu.memory_space<vmem>>) semaphore(%arg10 : memref<!tpu.dma_semaphore, #tpu.memory_space<semaphore_mem>>) {add = true}
    }
    %scan3A_91 = arith.constant 79 : i32
    %scan3A_92 = arith.constant 0 : i32
    %scan3A_93 = arith.constant 0 : i32
    %scan3A_94 = arith.constant 79 : i32
    %scan3A_95 = arith.addi %scan3A_93, %scan3A_94 : i32
    %scan3A_96 = arith.constant 1 : i32
    scf.for %scan3A_107 = %scan3A_93 to %scan3A_95 step %scan3A_96  : i32 {
      %dma_wait3A_108 = arith.constant 0 : i32
      %dma_wait3A_109 = tpu.memref_slice %arg6[%scan3A_107, %dma_wait3A_108] : memref<79x128xi32, #tpu.memory_space<vmem>> -> memref<1x128xi32, #tpu.memory_space<vmem>>
      %dma_wait3A_110 = tpu.memref_squeeze %dma_wait3A_109 : memref<1x128xi32, #tpu.memory_space<vmem>> -> memref<128xi32, #tpu.memory_space<vmem>>
      %dma_wait3A_111 = arith.constant 0 : i32
      %dma_wait3A_112 = tpu.memref_slice %arg11[%dma_wait3A_111] : memref<10240xf32, #tpu.memory_space<vmem_shared>> -> memref<10240xf32, #tpu.memory_space<vmem_shared>>
      tpu.wait_indirect_dma semaphore(%arg10 : memref<!tpu.dma_semaphore, #tpu.memory_space<semaphore_mem>>) src(%arg8 : memref<128xf32, #tpu.memory_space<vmem>>) dst(%dma_wait3A_112 : memref<10240xf32, #tpu.memory_space<vmem_shared>>)
      %dma_wait3A_113 = arith.constant 0 : i32
      %dma_wait3A_114 = tpu.memref_slice %arg7[%scan3A_107, %dma_wait3A_113] : memref<79x128xi32, #tpu.memory_space<vmem>> -> memref<1x128xi32, #tpu.memory_space<vmem>>
      %dma_wait3A_115 = tpu.memref_squeeze %dma_wait3A_114 : memref<1x128xi32, #tpu.memory_space<vmem>> -> memref<128xi32, #tpu.memory_space<vmem>>
      %dma_wait3A_116 = arith.constant 0 : i32
      %dma_wait3A_117 = tpu.memref_slice %arg12[%dma_wait3A_116] : memref<10240xf32, #tpu.memory_space<vmem_shared>> -> memref<10240xf32, #tpu.memory_space<vmem_shared>>
      tpu.wait_indirect_dma semaphore(%arg10 : memref<!tpu.dma_semaphore, #tpu.memory_space<semaphore_mem>>) src(%arg8 : memref<128xf32, #tpu.memory_space<vmem>>) dst(%dma_wait3A_117 : memref<10240xf32, #tpu.memory_space<vmem_shared>>)
    }
    %scan3A_97 = arith.constant 79 : i32
    %barrier3A_98 = arith.constant 0 : index
    tpu.barrier barrier_id(%barrier3A_98)
    %mul3A_99 = arith.constant 640 : i32
    %mul3A_100 = arith.muli %arg1, %mul3A_99 : i32
    %mul3A_101 = arith.constant 640 : i32
    %mul3A_102 = arith.muli %arg1, %mul3A_101 : i32
    "tpu.region"() ({
      %run_scoped3A = tpu.sem_alloc : memref<!tpu.dma_semaphore, #tpu.memory_space<semaphore_mem>>
      %dma_start3A_107 = tpu.memref_slice %arg4[%arg0, %mul3A_102] : memref<2x10240xf32, #tpu.memory_space<hbm>> -> memref<1x640xf32, #tpu.memory_space<hbm>>
      %dma_start3A_108 = tpu.memref_squeeze %dma_start3A_107 : memref<1x640xf32, #tpu.memory_space<hbm>> -> memref<640xf32, #tpu.memory_space<hbm>>
      %dma_start3A_109 = tpu.memref_slice %arg11[%mul3A_100] : memref<10240xf32, #tpu.memory_space<vmem_shared>> -> memref<640xf32, #tpu.memory_space<vmem_shared>>
      tpu.enqueue_dma source(%dma_start3A_109 : memref<640xf32, #tpu.memory_space<vmem_shared>>) target(%dma_start3A_108 : memref<640xf32, #tpu.memory_space<hbm>>) target_semaphore(%run_scoped3A : memref<!tpu.dma_semaphore, #tpu.memory_space<semaphore_mem>>)
      %dma_wait3A_110 = tpu.memref_slice %arg4[%arg0, %mul3A_102] : memref<2x10240xf32, #tpu.memory_space<hbm>> -> memref<1x640xf32, #tpu.memory_space<hbm>>
      %dma_wait3A_111 = tpu.memref_squeeze %dma_wait3A_110 : memref<1x640xf32, #tpu.memory_space<hbm>> -> memref<640xf32, #tpu.memory_space<hbm>>
      %dma_wait3A_112 = tpu.memref_slice %arg11[%mul3A_100] : memref<10240xf32, #tpu.memory_space<vmem_shared>> -> memref<640xf32, #tpu.memory_space<vmem_shared>>
      tpu.wait_dma2 semaphore(%run_scoped3A : memref<!tpu.dma_semaphore, #tpu.memory_space<semaphore_mem>>) src(%dma_wait3A_112 : memref<640xf32, #tpu.memory_space<vmem_shared>>) dst(%dma_wait3A_111 : memref<640xf32, #tpu.memory_space<hbm>>)
      tpu.yield
    }) : () -> ()
    %mul3A_103 = arith.constant 640 : i32
    %mul3A_104 = arith.muli %arg1, %mul3A_103 : i32
    %mul3A_105 = arith.constant 640 : i32
    %mul3A_106 = arith.muli %arg1, %mul3A_105 : i32
    "tpu.region"() ({
      %run_scoped3A = tpu.sem_alloc : memref<!tpu.dma_semaphore, #tpu.memory_space<semaphore_mem>>
      %dma_start3A_107 = tpu.memref_slice %arg5[%arg0, %mul3A_106] : memref<2x10240xf32, #tpu.memory_space<hbm>> -> memref<1x640xf32, #tpu.memory_space<hbm>>
      %dma_start3A_108 = tpu.memref_squeeze %dma_start3A_107 : memref<1x640xf32, #tpu.memory_space<hbm>> -> memref<640xf32, #tpu.memory_space<hbm>>
      %dma_start3A_109 = tpu.memref_slice %arg12[%mul3A_104] : memref<10240xf32, #tpu.memory_space<vmem_shared>> -> memref<640xf32, #tpu.memory_space<vmem_shared>>
      tpu.enqueue_dma source(%dma_start3A_109 : memref<640xf32, #tpu.memory_space<vmem_shared>>) target(%dma_start3A_108 : memref<640xf32, #tpu.memory_space<hbm>>) target_semaphore(%run_scoped3A : memref<!tpu.dma_semaphore, #tpu.memory_space<semaphore_mem>>)
      %dma_wait3A_110 = tpu.memref_slice %arg5[%arg0, %mul3A_106] : memref<2x10240xf32, #tpu.memory_space<hbm>> -> memref<1x640xf32, #tpu.memory_space<hbm>>
      %dma_wait3A_111 = tpu.memref_squeeze %dma_wait3A_110 : memref<1x640xf32, #tpu.memory_space<hbm>> -> memref<640xf32, #tpu.memory_space<hbm>>
      %dma_wait3A_112 = tpu.memref_slice %arg12[%mul3A_104] : memref<10240xf32, #tpu.memory_space<vmem_shared>> -> memref<640xf32, #tpu.memory_space<vmem_shared>>
      tpu.wait_dma2 semaphore(%run_scoped3A : memref<!tpu.dma_semaphore, #tpu.memory_space<semaphore_mem>>) src(%dma_wait3A_112 : memref<640xf32, #tpu.memory_space<vmem_shared>>) dst(%dma_wait3A_111 : memref<640xf32, #tpu.memory_space<hbm>>)
      tpu.yield
    }) : () -> ()
    return
  }
}

#map = affine_map<(d0, d1) -> (0, 0)>
#map1 = affine_map<(d0, d1) -> (0, 0, 0, 0)>
#map2 = affine_map<(d0, d1) -> (0, 0, 0)>
module attributes {stable_mosaic.version = 14 : i64} {
  func.func @body(%arg0: i32, %arg1: i32, %arg2: memref<20480x64xf32, #tpu.memory_space<hbm>>, %arg3: memref<2x16x160x128xi32, #tpu.memory_space<hbm>>, %arg4: memref<16x160x128xi32, #tpu.memory_space<hbm>>, %arg5: memref<10240x128xf32, #tpu.memory_space<hbm>>, %arg6: memref<160x128xi32, #tpu.memory_space<vmem>>, %arg7: memref<160x128xi32, #tpu.memory_space<vmem>>, %arg8: memref<128x64xf32, #tpu.memory_space<vmem>>, %arg9: memref<128x64xf32, #tpu.memory_space<vmem>>, %arg10: memref<128x64xf32, #tpu.memory_space<vmem>>, %arg11: memref<128x64xf32, #tpu.memory_space<vmem>>, %arg12: memref<!tpu.dma_semaphore, #tpu.memory_space<semaphore_mem>>, %arg13: memref<!tpu.dma_semaphore, #tpu.memory_space<semaphore_mem>>, %arg14: memref<10240x64xf32, #tpu.memory_space<vmem_shared>>) attributes {dimension_semantics = [#tpu.dimension_semantics<core_parallel>, #tpu.dimension_semantics<subcore_parallel>], iteration_bounds = array<i64: 2, 16>, scalar_prefetch = 0 : i64, scratch_operands = 9 : i64, tpu.core_type = #tpu.core_type<sc_vector_subcore>, window_params = [{transform_indices = #map}, {transform_indices = #map1}, {transform_indices = #map2}, {transform_indices = #map}]} {
    %dma_start3A = arith.constant 0 : i32
    %dma_start3A_0 = arith.constant 0 : i32
    %dma_start3A_1 = tpu.memref_slice %arg3[%arg0, %arg1, %dma_start3A, %dma_start3A_0] : memref<2x16x160x128xi32, #tpu.memory_space<hbm>> -> memref<1x1x160x128xi32, #tpu.memory_space<hbm>>
    %dma_start3A_2 = tpu.memref_squeeze %dma_start3A_1 : memref<1x1x160x128xi32, #tpu.memory_space<hbm>> -> memref<160x128xi32, #tpu.memory_space<hbm>>
    %dma_start3A_3 = arith.constant 0 : i32
    %dma_start3A_4 = arith.constant 0 : i32
    %dma_start3A_5 = tpu.memref_slice %arg3[%arg0, %arg1, %dma_start3A_3, %dma_start3A_4] : memref<2x16x160x128xi32, #tpu.memory_space<hbm>> -> memref<1x1x160x128xi32, #tpu.memory_space<hbm>>
    %dma_start3A_6 = tpu.memref_squeeze %dma_start3A_5 : memref<1x1x160x128xi32, #tpu.memory_space<hbm>> -> memref<160x128xi32, #tpu.memory_space<hbm>>
    tpu.enqueue_dma source(%dma_start3A_6 : memref<160x128xi32, #tpu.memory_space<hbm>>) target(%arg6 : memref<160x128xi32, #tpu.memory_space<vmem>>) target_semaphore(%arg12 : memref<!tpu.dma_semaphore, #tpu.memory_space<semaphore_mem>>)
    %dma_start3A_7 = arith.constant 0 : i32
    %dma_start3A_8 = arith.constant 0 : i32
    %dma_start3A_9 = tpu.memref_slice %arg4[%arg1, %dma_start3A_7, %dma_start3A_8] : memref<16x160x128xi32, #tpu.memory_space<hbm>> -> memref<1x160x128xi32, #tpu.memory_space<hbm>>
    %dma_start3A_10 = tpu.memref_squeeze %dma_start3A_9 : memref<1x160x128xi32, #tpu.memory_space<hbm>> -> memref<160x128xi32, #tpu.memory_space<hbm>>
    %dma_start3A_11 = arith.constant 0 : i32
    %dma_start3A_12 = arith.constant 0 : i32
    %dma_start3A_13 = tpu.memref_slice %arg4[%arg1, %dma_start3A_11, %dma_start3A_12] : memref<16x160x128xi32, #tpu.memory_space<hbm>> -> memref<1x160x128xi32, #tpu.memory_space<hbm>>
    %dma_start3A_14 = tpu.memref_squeeze %dma_start3A_13 : memref<1x160x128xi32, #tpu.memory_space<hbm>> -> memref<160x128xi32, #tpu.memory_space<hbm>>
    tpu.enqueue_dma source(%dma_start3A_14 : memref<160x128xi32, #tpu.memory_space<hbm>>) target(%arg7 : memref<160x128xi32, #tpu.memory_space<vmem>>) target_semaphore(%arg12 : memref<!tpu.dma_semaphore, #tpu.memory_space<semaphore_mem>>)
    %scan3A = arith.constant 0 : i32
    %scan3A_15 = arith.constant 0 : i32
    %scan3A_16 = arith.constant 128 : i32
    %scan3A_17 = arith.addi %scan3A_15, %scan3A_16 : i32
    %scan3A_18 = arith.constant 1 : i32
    scf.for %scan3A_175 = %scan3A_15 to %scan3A_17 step %scan3A_18  : i32 {
      %broadcast_in_dim3A = arith.constant 0.000000e+00 : f32
      %broadcast_in_dim3A_176 = vector.broadcast %broadcast_in_dim3A : f32 to vector<16xf32>
      %swap3A = arith.index_cast %scan3A_175 : i32 to index
      %swap3A_177 = arith.constant 0 : index
      %swap3A_178 = tpu.vector_load %arg8[%swap3A, %swap3A_177] {strides = array<i32>} : memref<128x64xf32, #tpu.memory_space<vmem>>, vector<1x16xf32>,
      %swap3A_179 = vector.shape_cast %swap3A_178 : vector<1x16xf32> to vector<16xf32>
      %swap3A_180 = vector.shape_cast %broadcast_in_dim3A_176 : vector<16xf32> to vector<1x16xf32>
      tpu.vector_store %arg8[%swap3A, %swap3A_177], %swap3A_180 {strides = array<i32>} : memref<128x64xf32, #tpu.memory_space<vmem>>, vector<1x16xf32>,
      %broadcast_in_dim3A_181 = arith.constant 0.000000e+00 : f32
      %broadcast_in_dim3A_182 = vector.broadcast %broadcast_in_dim3A_181 : f32 to vector<16xf32>
      %swap3A_183 = arith.index_cast %scan3A_175 : i32 to index
      %swap3A_184 = arith.constant 16 : index
      %swap3A_185 = tpu.vector_load %arg8[%swap3A_183, %swap3A_184] {strides = array<i32>} : memref<128x64xf32, #tpu.memory_space<vmem>>, vector<1x16xf32>,
      %swap3A_186 = vector.shape_cast %swap3A_185 : vector<1x16xf32> to vector<16xf32>
      %swap3A_187 = vector.shape_cast %broadcast_in_dim3A_182 : vector<16xf32> to vector<1x16xf32>
      tpu.vector_store %arg8[%swap3A_183, %swap3A_184], %swap3A_187 {strides = array<i32>} : memref<128x64xf32, #tpu.memory_space<vmem>>, vector<1x16xf32>,
      %broadcast_in_dim3A_188 = arith.constant 0.000000e+00 : f32
      %broadcast_in_dim3A_189 = vector.broadcast %broadcast_in_dim3A_188 : f32 to vector<16xf32>
      %swap3A_190 = arith.index_cast %scan3A_175 : i32 to index
      %swap3A_191 = arith.constant 32 : index
      %swap3A_192 = tpu.vector_load %arg8[%swap3A_190, %swap3A_191] {strides = array<i32>} : memref<128x64xf32, #tpu.memory_space<vmem>>, vector<1x16xf32>,
      %swap3A_193 = vector.shape_cast %swap3A_192 : vector<1x16xf32> to vector<16xf32>
      %swap3A_194 = vector.shape_cast %broadcast_in_dim3A_189 : vector<16xf32> to vector<1x16xf32>
      tpu.vector_store %arg8[%swap3A_190, %swap3A_191], %swap3A_194 {strides = array<i32>} : memref<128x64xf32, #tpu.memory_space<vmem>>, vector<1x16xf32>,
      %broadcast_in_dim3A_195 = arith.constant 0.000000e+00 : f32
      %broadcast_in_dim3A_196 = vector.broadcast %broadcast_in_dim3A_195 : f32 to vector<16xf32>
      %swap3A_197 = arith.index_cast %scan3A_175 : i32 to index
      %swap3A_198 = arith.constant 48 : index
      %swap3A_199 = tpu.vector_load %arg8[%swap3A_197, %swap3A_198] {strides = array<i32>} : memref<128x64xf32, #tpu.memory_space<vmem>>, vector<1x16xf32>,
      %swap3A_200 = vector.shape_cast %swap3A_199 : vector<1x16xf32> to vector<16xf32>
      %swap3A_201 = vector.shape_cast %broadcast_in_dim3A_196 : vector<16xf32> to vector<1x16xf32>
      tpu.vector_store %arg8[%swap3A_197, %swap3A_198], %swap3A_201 {strides = array<i32>} : memref<128x64xf32, #tpu.memory_space<vmem>>, vector<1x16xf32>,
    }
    %scan3A_19 = arith.constant 128 : i32
    %mul3A = arith.constant 640 : i32
    %mul3A_20 = arith.muli %arg1, %mul3A : i32
    %add3A = arith.constant 0 : i32
    %add3A_21 = arith.addi %mul3A_20, %add3A : i32
    %dma_start3A_22 = arith.constant 0 : i32
    %dma_start3A_23 = tpu.memref_slice %arg14[%add3A_21, %dma_start3A_22] : memref<10240x64xf32, #tpu.memory_space<vmem_shared>> -> memref<128x64xf32, #tpu.memory_space<vmem_shared>>
    %dma_start3A_24 = arith.constant 0 : i32
    %dma_start3A_25 = tpu.memref_slice %arg14[%add3A_21, %dma_start3A_24] : memref<10240x64xf32, #tpu.memory_space<vmem_shared>> -> memref<128x64xf32, #tpu.memory_space<vmem_shared>>
    tpu.enqueue_dma source(%arg8 : memref<128x64xf32, #tpu.memory_space<vmem>>) target(%dma_start3A_25 : memref<128x64xf32, #tpu.memory_space<vmem_shared>>) target_semaphore(%arg13 : memref<!tpu.dma_semaphore, #tpu.memory_space<semaphore_mem>>)
    %mul3A_26 = arith.constant 640 : i32
    %mul3A_27 = arith.muli %arg1, %mul3A_26 : i32
    %add3A_28 = arith.constant 128 : i32
    %add3A_29 = arith.addi %mul3A_27, %add3A_28 : i32
    %dma_start3A_30 = arith.constant 0 : i32
    %dma_start3A_31 = tpu.memref_slice %arg14[%add3A_29, %dma_start3A_30] : memref<10240x64xf32, #tpu.memory_space<vmem_shared>> -> memref<128x64xf32, #tpu.memory_space<vmem_shared>>
    %dma_start3A_32 = arith.constant 0 : i32
    %dma_start3A_33 = tpu.memref_slice %arg14[%add3A_29, %dma_start3A_32] : memref<10240x64xf32, #tpu.memory_space<vmem_shared>> -> memref<128x64xf32, #tpu.memory_space<vmem_shared>>
    tpu.enqueue_dma source(%arg8 : memref<128x64xf32, #tpu.memory_space<vmem>>) target(%dma_start3A_33 : memref<128x64xf32, #tpu.memory_space<vmem_shared>>) target_semaphore(%arg13 : memref<!tpu.dma_semaphore, #tpu.memory_space<semaphore_mem>>)
    %mul3A_34 = arith.constant 640 : i32
    %mul3A_35 = arith.muli %arg1, %mul3A_34 : i32
    %add3A_36 = arith.constant 256 : i32
    %add3A_37 = arith.addi %mul3A_35, %add3A_36 : i32
    %dma_start3A_38 = arith.constant 0 : i32
    %dma_start3A_39 = tpu.memref_slice %arg14[%add3A_37, %dma_start3A_38] : memref<10240x64xf32, #tpu.memory_space<vmem_shared>> -> memref<128x64xf32, #tpu.memory_space<vmem_shared>>
    %dma_start3A_40 = arith.constant 0 : i32
    %dma_start3A_41 = tpu.memref_slice %arg14[%add3A_37, %dma_start3A_40] : memref<10240x64xf32, #tpu.memory_space<vmem_shared>> -> memref<128x64xf32, #tpu.memory_space<vmem_shared>>
    tpu.enqueue_dma source(%arg8 : memref<128x64xf32, #tpu.memory_space<vmem>>) target(%dma_start3A_41 : memref<128x64xf32, #tpu.memory_space<vmem_shared>>) target_semaphore(%arg13 : memref<!tpu.dma_semaphore, #tpu.memory_space<semaphore_mem>>)
    %mul3A_42 = arith.constant 640 : i32
    %mul3A_43 = arith.muli %arg1, %mul3A_42 : i32
    %add3A_44 = arith.constant 384 : i32
    %add3A_45 = arith.addi %mul3A_43, %add3A_44 : i32
    %dma_start3A_46 = arith.constant 0 : i32
    %dma_start3A_47 = tpu.memref_slice %arg14[%add3A_45, %dma_start3A_46] : memref<10240x64xf32, #tpu.memory_space<vmem_shared>> -> memref<128x64xf32, #tpu.memory_space<vmem_shared>>
    %dma_start3A_48 = arith.constant 0 : i32
    %dma_start3A_49 = tpu.memref_slice %arg14[%add3A_45, %dma_start3A_48] : memref<10240x64xf32, #tpu.memory_space<vmem_shared>> -> memref<128x64xf32, #tpu.memory_space<vmem_shared>>
    tpu.enqueue_dma source(%arg8 : memref<128x64xf32, #tpu.memory_space<vmem>>) target(%dma_start3A_49 : memref<128x64xf32, #tpu.memory_space<vmem_shared>>) target_semaphore(%arg13 : memref<!tpu.dma_semaphore, #tpu.memory_space<semaphore_mem>>)
    %mul3A_50 = arith.constant 640 : i32
    %mul3A_51 = arith.muli %arg1, %mul3A_50 : i32
    %add3A_52 = arith.constant 512 : i32
    %add3A_53 = arith.addi %mul3A_51, %add3A_52 : i32
    %dma_start3A_54 = arith.constant 0 : i32
    %dma_start3A_55 = tpu.memref_slice %arg14[%add3A_53, %dma_start3A_54] : memref<10240x64xf32, #tpu.memory_space<vmem_shared>> -> memref<128x64xf32, #tpu.memory_space<vmem_shared>>
    %dma_start3A_56 = arith.constant 0 : i32
    %dma_start3A_57 = tpu.memref_slice %arg14[%add3A_53, %dma_start3A_56] : memref<10240x64xf32, #tpu.memory_space<vmem_shared>> -> memref<128x64xf32, #tpu.memory_space<vmem_shared>>
    tpu.enqueue_dma source(%arg8 : memref<128x64xf32, #tpu.memory_space<vmem>>) target(%dma_start3A_57 : memref<128x64xf32, #tpu.memory_space<vmem_shared>>) target_semaphore(%arg13 : memref<!tpu.dma_semaphore, #tpu.memory_space<semaphore_mem>>)
    %dma_wait3A = arith.constant 0 : i32
    %dma_wait3A_58 = arith.constant 0 : i32
    %dma_wait3A_59 = tpu.memref_slice %arg3[%arg0, %arg1, %dma_wait3A, %dma_wait3A_58] : memref<2x16x160x128xi32, #tpu.memory_space<hbm>> -> memref<1x1x160x128xi32, #tpu.memory_space<hbm>>
    %dma_wait3A_60 = tpu.memref_squeeze %dma_wait3A_59 : memref<1x1x160x128xi32, #tpu.memory_space<hbm>> -> memref<160x128xi32, #tpu.memory_space<hbm>>
    %dma_wait3A_61 = arith.constant 0 : i32
    %dma_wait3A_62 = arith.constant 0 : i32
    %dma_wait3A_63 = tpu.memref_slice %arg3[%arg0, %arg1, %dma_wait3A_61, %dma_wait3A_62] : memref<2x16x160x128xi32, #tpu.memory_space<hbm>> -> memref<1x1x160x128xi32, #tpu.memory_space<hbm>>
    %dma_wait3A_64 = tpu.memref_squeeze %dma_wait3A_63 : memref<1x1x160x128xi32, #tpu.memory_space<hbm>> -> memref<160x128xi32, #tpu.memory_space<hbm>>
    tpu.wait_dma2 semaphore(%arg12 : memref<!tpu.dma_semaphore, #tpu.memory_space<semaphore_mem>>) src(%dma_wait3A_64 : memref<160x128xi32, #tpu.memory_space<hbm>>) dst(%arg6 : memref<160x128xi32, #tpu.memory_space<vmem>>)
    %dma_wait3A_65 = arith.constant 0 : i32
    %dma_wait3A_66 = arith.constant 0 : i32
    %dma_wait3A_67 = tpu.memref_slice %arg4[%arg1, %dma_wait3A_65, %dma_wait3A_66] : memref<16x160x128xi32, #tpu.memory_space<hbm>> -> memref<1x160x128xi32, #tpu.memory_space<hbm>>
    %dma_wait3A_68 = tpu.memref_squeeze %dma_wait3A_67 : memref<1x160x128xi32, #tpu.memory_space<hbm>> -> memref<160x128xi32, #tpu.memory_space<hbm>>
    %dma_wait3A_69 = arith.constant 0 : i32
    %dma_wait3A_70 = arith.constant 0 : i32
    %dma_wait3A_71 = tpu.memref_slice %arg4[%arg1, %dma_wait3A_69, %dma_wait3A_70] : memref<16x160x128xi32, #tpu.memory_space<hbm>> -> memref<1x160x128xi32, #tpu.memory_space<hbm>>
    %dma_wait3A_72 = tpu.memref_squeeze %dma_wait3A_71 : memref<1x160x128xi32, #tpu.memory_space<hbm>> -> memref<160x128xi32, #tpu.memory_space<hbm>>
    tpu.wait_dma2 semaphore(%arg12 : memref<!tpu.dma_semaphore, #tpu.memory_space<semaphore_mem>>) src(%dma_wait3A_72 : memref<160x128xi32, #tpu.memory_space<hbm>>) dst(%arg7 : memref<160x128xi32, #tpu.memory_space<vmem>>)
    %mul3A_73 = arith.constant 640 : i32
    %mul3A_74 = arith.muli %arg1, %mul3A_73 : i32
    %add3A_75 = arith.constant 0 : i32
    %add3A_76 = arith.addi %mul3A_74, %add3A_75 : i32
    %dma_wait3A_77 = arith.constant 0 : i32
    %dma_wait3A_78 = tpu.memref_slice %arg14[%add3A_76, %dma_wait3A_77] : memref<10240x64xf32, #tpu.memory_space<vmem_shared>> -> memref<128x64xf32, #tpu.memory_space<vmem_shared>>
    %dma_wait3A_79 = arith.constant 0 : i32
    %dma_wait3A_80 = tpu.memref_slice %arg14[%add3A_76, %dma_wait3A_79] : memref<10240x64xf32, #tpu.memory_space<vmem_shared>> -> memref<128x64xf32, #tpu.memory_space<vmem_shared>>
    tpu.wait_dma2 semaphore(%arg13 : memref<!tpu.dma_semaphore, #tpu.memory_space<semaphore_mem>>) src(%arg8 : memref<128x64xf32, #tpu.memory_space<vmem>>) dst(%dma_wait3A_80 : memref<128x64xf32, #tpu.memory_space<vmem_shared>>)
    %mul3A_81 = arith.constant 640 : i32
    %mul3A_82 = arith.muli %arg1, %mul3A_81 : i32
    %add3A_83 = arith.constant 128 : i32
    %add3A_84 = arith.addi %mul3A_82, %add3A_83 : i32
    %dma_wait3A_85 = arith.constant 0 : i32
    %dma_wait3A_86 = tpu.memref_slice %arg14[%add3A_84, %dma_wait3A_85] : memref<10240x64xf32, #tpu.memory_space<vmem_shared>> -> memref<128x64xf32, #tpu.memory_space<vmem_shared>>
    %dma_wait3A_87 = arith.constant 0 : i32
    %dma_wait3A_88 = tpu.memref_slice %arg14[%add3A_84, %dma_wait3A_87] : memref<10240x64xf32, #tpu.memory_space<vmem_shared>> -> memref<128x64xf32, #tpu.memory_space<vmem_shared>>
    tpu.wait_dma2 semaphore(%arg13 : memref<!tpu.dma_semaphore, #tpu.memory_space<semaphore_mem>>) src(%arg8 : memref<128x64xf32, #tpu.memory_space<vmem>>) dst(%dma_wait3A_88 : memref<128x64xf32, #tpu.memory_space<vmem_shared>>)
    %mul3A_89 = arith.constant 640 : i32
    %mul3A_90 = arith.muli %arg1, %mul3A_89 : i32
    %add3A_91 = arith.constant 256 : i32
    %add3A_92 = arith.addi %mul3A_90, %add3A_91 : i32
    %dma_wait3A_93 = arith.constant 0 : i32
    %dma_wait3A_94 = tpu.memref_slice %arg14[%add3A_92, %dma_wait3A_93] : memref<10240x64xf32, #tpu.memory_space<vmem_shared>> -> memref<128x64xf32, #tpu.memory_space<vmem_shared>>
    %dma_wait3A_95 = arith.constant 0 : i32
    %dma_wait3A_96 = tpu.memref_slice %arg14[%add3A_92, %dma_wait3A_95] : memref<10240x64xf32, #tpu.memory_space<vmem_shared>> -> memref<128x64xf32, #tpu.memory_space<vmem_shared>>
    tpu.wait_dma2 semaphore(%arg13 : memref<!tpu.dma_semaphore, #tpu.memory_space<semaphore_mem>>) src(%arg8 : memref<128x64xf32, #tpu.memory_space<vmem>>) dst(%dma_wait3A_96 : memref<128x64xf32, #tpu.memory_space<vmem_shared>>)
    %mul3A_97 = arith.constant 640 : i32
    %mul3A_98 = arith.muli %arg1, %mul3A_97 : i32
    %add3A_99 = arith.constant 384 : i32
    %add3A_100 = arith.addi %mul3A_98, %add3A_99 : i32
    %dma_wait3A_101 = arith.constant 0 : i32
    %dma_wait3A_102 = tpu.memref_slice %arg14[%add3A_100, %dma_wait3A_101] : memref<10240x64xf32, #tpu.memory_space<vmem_shared>> -> memref<128x64xf32, #tpu.memory_space<vmem_shared>>
    %dma_wait3A_103 = arith.constant 0 : i32
    %dma_wait3A_104 = tpu.memref_slice %arg14[%add3A_100, %dma_wait3A_103] : memref<10240x64xf32, #tpu.memory_space<vmem_shared>> -> memref<128x64xf32, #tpu.memory_space<vmem_shared>>
    tpu.wait_dma2 semaphore(%arg13 : memref<!tpu.dma_semaphore, #tpu.memory_space<semaphore_mem>>) src(%arg8 : memref<128x64xf32, #tpu.memory_space<vmem>>) dst(%dma_wait3A_104 : memref<128x64xf32, #tpu.memory_space<vmem_shared>>)
    %mul3A_105 = arith.constant 640 : i32
    %mul3A_106 = arith.muli %arg1, %mul3A_105 : i32
    %add3A_107 = arith.constant 512 : i32
    %add3A_108 = arith.addi %mul3A_106, %add3A_107 : i32
    %dma_wait3A_109 = arith.constant 0 : i32
    %dma_wait3A_110 = tpu.memref_slice %arg14[%add3A_108, %dma_wait3A_109] : memref<10240x64xf32, #tpu.memory_space<vmem_shared>> -> memref<128x64xf32, #tpu.memory_space<vmem_shared>>
    %dma_wait3A_111 = arith.constant 0 : i32
    %dma_wait3A_112 = tpu.memref_slice %arg14[%add3A_108, %dma_wait3A_111] : memref<10240x64xf32, #tpu.memory_space<vmem_shared>> -> memref<128x64xf32, #tpu.memory_space<vmem_shared>>
    tpu.wait_dma2 semaphore(%arg13 : memref<!tpu.dma_semaphore, #tpu.memory_space<semaphore_mem>>) src(%arg8 : memref<128x64xf32, #tpu.memory_space<vmem>>) dst(%dma_wait3A_112 : memref<128x64xf32, #tpu.memory_space<vmem_shared>>)
    %barrier3A = arith.constant 0 : index
    tpu.barrier barrier_id(%barrier3A)
    %dma_start3A_113 = arith.constant 0 : i32
    %dma_start3A_114 = arith.constant 0 : i32
    %dma_start3A_115 = tpu.memref_slice %arg6[%dma_start3A_113, %dma_start3A_114] : memref<160x128xi32, #tpu.memory_space<vmem>> -> memref<1x128xi32, #tpu.memory_space<vmem>>
    %dma_start3A_116 = tpu.memref_squeeze %dma_start3A_115 : memref<1x128xi32, #tpu.memory_space<vmem>> -> memref<128xi32, #tpu.memory_space<vmem>>
    %dma_start3A_117 = arith.constant 0 : i32
    %dma_start3A_118 = arith.constant 0 : i32
    %dma_start3A_119 = tpu.memref_slice %arg2[%dma_start3A_117, %dma_start3A_118] : memref<20480x64xf32, #tpu.memory_space<hbm>> -> memref<20480x64xf32, #tpu.memory_space<hbm>>
    tpu.enqueue_indirect_dma source(%dma_start3A_119 : memref<20480x64xf32, #tpu.memory_space<hbm>>) target(%arg8 : memref<128x64xf32, #tpu.memory_space<vmem>>) offsets(%dma_start3A_116 : memref<128xi32, #tpu.memory_space<vmem>>) semaphore(%arg12 : memref<!tpu.dma_semaphore, #tpu.memory_space<semaphore_mem>>)
    %dma_start3A_120 = arith.constant 1 : i32
    %dma_start3A_121 = arith.constant 0 : i32
    %dma_start3A_122 = tpu.memref_slice %arg6[%dma_start3A_120, %dma_start3A_121] : memref<160x128xi32, #tpu.memory_space<vmem>> -> memref<1x128xi32, #tpu.memory_space<vmem>>
    %dma_start3A_123 = tpu.memref_squeeze %dma_start3A_122 : memref<1x128xi32, #tpu.memory_space<vmem>> -> memref<128xi32, #tpu.memory_space<vmem>>
    %dma_start3A_124 = arith.constant 0 : i32
    %dma_start3A_125 = arith.constant 0 : i32
    %dma_start3A_126 = tpu.memref_slice %arg2[%dma_start3A_124, %dma_start3A_125] : memref<20480x64xf32, #tpu.memory_space<hbm>> -> memref<20480x64xf32, #tpu.memory_space<hbm>>
    tpu.enqueue_indirect_dma source(%dma_start3A_126 : memref<20480x64xf32, #tpu.memory_space<hbm>>) target(%arg9 : memref<128x64xf32, #tpu.memory_space<vmem>>) offsets(%dma_start3A_123 : memref<128xi32, #tpu.memory_space<vmem>>) semaphore(%arg12 : memref<!tpu.dma_semaphore, #tpu.memory_space<semaphore_mem>>)
    %dma_start3A_127 = arith.constant 2 : i32
    %dma_start3A_128 = arith.constant 0 : i32
    %dma_start3A_129 = tpu.memref_slice %arg6[%dma_start3A_127, %dma_start3A_128] : memref<160x128xi32, #tpu.memory_space<vmem>> -> memref<1x128xi32, #tpu.memory_space<vmem>>
    %dma_start3A_130 = tpu.memref_squeeze %dma_start3A_129 : memref<1x128xi32, #tpu.memory_space<vmem>> -> memref<128xi32, #tpu.memory_space<vmem>>
    %dma_start3A_131 = arith.constant 0 : i32
    %dma_start3A_132 = arith.constant 0 : i32
    %dma_start3A_133 = tpu.memref_slice %arg2[%dma_start3A_131, %dma_start3A_132] : memref<20480x64xf32, #tpu.memory_space<hbm>> -> memref<20480x64xf32, #tpu.memory_space<hbm>>
    tpu.enqueue_indirect_dma source(%dma_start3A_133 : memref<20480x64xf32, #tpu.memory_space<hbm>>) target(%arg10 : memref<128x64xf32, #tpu.memory_space<vmem>>) offsets(%dma_start3A_130 : memref<128xi32, #tpu.memory_space<vmem>>) semaphore(%arg12 : memref<!tpu.dma_semaphore, #tpu.memory_space<semaphore_mem>>)
    %scan3A_134 = arith.constant 0 : i32
    %scan3A_135 = arith.constant 0 : i32
    %scan3A_136 = arith.constant 40 : i32
    %scan3A_137 = arith.addi %scan3A_135, %scan3A_136 : i32
    %scan3A_138 = arith.constant 1 : i32
    scf.for %scan3A_175 = %scan3A_135 to %scan3A_137 step %scan3A_138  : i32 {
      %mul3A_176 = arith.constant 4 : i32
      %mul3A_177 = arith.muli %scan3A_175, %mul3A_176 : i32
      %add3A_178 = arith.constant 0 : i32
      %add3A_179 = arith.addi %mul3A_177, %add3A_178 : i32
      %dma_wait3A_180 = arith.constant 0 : i32
      %dma_wait3A_181 = tpu.memref_slice %arg6[%add3A_179, %dma_wait3A_180] : memref<160x128xi32, #tpu.memory_space<vmem>> -> memref<1x128xi32, #tpu.memory_space<vmem>>
      %dma_wait3A_182 = tpu.memref_squeeze %dma_wait3A_181 : memref<1x128xi32, #tpu.memory_space<vmem>> -> memref<128xi32, #tpu.memory_space<vmem>>
      %dma_wait3A_183 = arith.constant 0 : i32
      %dma_wait3A_184 = arith.constant 0 : i32
      %dma_wait3A_185 = tpu.memref_slice %arg2[%dma_wait3A_183, %dma_wait3A_184] : memref<20480x64xf32, #tpu.memory_space<hbm>> -> memref<20480x64xf32, #tpu.memory_space<hbm>>
      tpu.wait_indirect_dma semaphore(%arg12 : memref<!tpu.dma_semaphore, #tpu.memory_space<semaphore_mem>>) src(%dma_wait3A_185 : memref<20480x64xf32, #tpu.memory_space<hbm>>) dst(%arg8 : memref<128x64xf32, #tpu.memory_space<vmem>>)
      %dma_start3A_186 = arith.constant 0 : i32
      %dma_start3A_187 = tpu.memref_slice %arg7[%add3A_179, %dma_start3A_186] : memref<160x128xi32, #tpu.memory_space<vmem>> -> memref<1x128xi32, #tpu.memory_space<vmem>>
      %dma_start3A_188 = tpu.memref_squeeze %dma_start3A_187 : memref<1x128xi32, #tpu.memory_space<vmem>> -> memref<128xi32, #tpu.memory_space<vmem>>
      %dma_start3A_189 = arith.constant 0 : i32
      %dma_start3A_190 = arith.constant 0 : i32
      %dma_start3A_191 = tpu.memref_slice %arg14[%dma_start3A_189, %dma_start3A_190] : memref<10240x64xf32, #tpu.memory_space<vmem_shared>> -> memref<10240x64xf32, #tpu.memory_space<vmem_shared>>
      tpu.enqueue_indirect_dma source(%arg8 : memref<128x64xf32, #tpu.memory_space<vmem>>) target(%dma_start3A_191 : memref<10240x64xf32, #tpu.memory_space<vmem_shared>>) offsets(%dma_start3A_188 : memref<128xi32, #tpu.memory_space<vmem>>) semaphore(%arg13 : memref<!tpu.dma_semaphore, #tpu.memory_space<semaphore_mem>>) {add = true}
      %add3A_192 = arith.constant 3 : i32
      %add3A_193 = arith.addi %add3A_179, %add3A_192 : i32
      %lt3A = arith.constant 160 : i32
      %lt3A_194 = arith.cmpi slt, %add3A_193, %lt3A : i32
      %convert_element_type3A = arith.extui %lt3A_194 : i1 to i32
      %cond3A = arith.constant 0 : i32
      %cond3A_195 = arith.cmpi ne, %convert_element_type3A, %cond3A : i32
      scf.if %cond3A_195 {
        %ge3A = arith.constant 1 : i32
        %ge3A_265 = arith.cmpi sge, %add3A_179, %ge3A : i32
        %convert_element_type3A_266 = arith.extui %ge3A_265 : i1 to i32
        %cond3A_267 = arith.constant 0 : i32
        %cond3A_268 = arith.cmpi ne, %convert_element_type3A_266, %cond3A_267 : i32
        scf.if %cond3A_268 {
          %sub3A = arith.constant 1 : i32
          %sub3A_277 = arith.subi %add3A_179, %sub3A : i32
          %dma_wait3A_278 = arith.constant 0 : i32
          %dma_wait3A_279 = tpu.memref_slice %arg7[%sub3A_277, %dma_wait3A_278] : memref<160x128xi32, #tpu.memory_space<vmem>> -> memref<1x128xi32, #tpu.memory_space<vmem>>
          %dma_wait3A_280 = tpu.memref_squeeze %dma_wait3A_279 : memref<1x128xi32, #tpu.memory_space<vmem>> -> memref<128xi32, #tpu.memory_space<vmem>>
          %dma_wait3A_281 = arith.constant 0 : i32
          %dma_wait3A_282 = arith.constant 0 : i32
          %dma_wait3A_283 = tpu.memref_slice %arg14[%dma_wait3A_281, %dma_wait3A_282] : memref<10240x64xf32, #tpu.memory_space<vmem_shared>> -> memref<10240x64xf32, #tpu.memory_space<vmem_shared>>
          tpu.wait_indirect_dma semaphore(%arg13 : memref<!tpu.dma_semaphore, #tpu.memory_space<semaphore_mem>>) src(%arg11 : memref<128x64xf32, #tpu.memory_space<vmem>>) dst(%dma_wait3A_283 : memref<10240x64xf32, #tpu.memory_space<vmem_shared>>)
        } else {
        }
        %add3A_269 = arith.constant 3 : i32
        %add3A_270 = arith.addi %add3A_179, %add3A_269 : i32
        %dma_start3A_271 = arith.constant 0 : i32
        %dma_start3A_272 = tpu.memref_slice %arg6[%add3A_270, %dma_start3A_271] : memref<160x128xi32, #tpu.memory_space<vmem>> -> memref<1x128xi32, #tpu.memory_space<vmem>>
        %dma_start3A_273 = tpu.memref_squeeze %dma_start3A_272 : memref<1x128xi32, #tpu.memory_space<vmem>> -> memref<128xi32, #tpu.memory_space<vmem>>
        %dma_start3A_274 = arith.constant 0 : i32
        %dma_start3A_275 = arith.constant 0 : i32
        %dma_start3A_276 = tpu.memref_slice %arg2[%dma_start3A_274, %dma_start3A_275] : memref<20480x64xf32, #tpu.memory_space<hbm>> -> memref<20480x64xf32, #tpu.memory_space<hbm>>
        tpu.enqueue_indirect_dma source(%dma_start3A_276 : memref<20480x64xf32, #tpu.memory_space<hbm>>) target(%arg11 : memref<128x64xf32, #tpu.memory_space<vmem>>) offsets(%dma_start3A_273 : memref<128xi32, #tpu.memory_space<vmem>>) semaphore(%arg12 : memref<!tpu.dma_semaphore, #tpu.memory_space<semaphore_mem>>)
      } else {
      }
      %mul3A_196 = arith.constant 4 : i32
      %mul3A_197 = arith.muli %scan3A_175, %mul3A_196 : i32
      %add3A_198 = arith.constant 1 : i32
      %add3A_199 = arith.addi %mul3A_197, %add3A_198 : i32
      %dma_wait3A_200 = arith.constant 0 : i32
      %dma_wait3A_201 = tpu.memref_slice %arg6[%add3A_199, %dma_wait3A_200] : memref<160x128xi32, #tpu.memory_space<vmem>> -> memref<1x128xi32, #tpu.memory_space<vmem>>
      %dma_wait3A_202 = tpu.memref_squeeze %dma_wait3A_201 : memref<1x128xi32, #tpu.memory_space<vmem>> -> memref<128xi32, #tpu.memory_space<vmem>>
      %dma_wait3A_203 = arith.constant 0 : i32
      %dma_wait3A_204 = arith.constant 0 : i32
      %dma_wait3A_205 = tpu.memref_slice %arg2[%dma_wait3A_203, %dma_wait3A_204] : memref<20480x64xf32, #tpu.memory_space<hbm>> -> memref<20480x64xf32, #tpu.memory_space<hbm>>
      tpu.wait_indirect_dma semaphore(%arg12 : memref<!tpu.dma_semaphore, #tpu.memory_space<semaphore_mem>>) src(%dma_wait3A_205 : memref<20480x64xf32, #tpu.memory_space<hbm>>) dst(%arg9 : memref<128x64xf32, #tpu.memory_space<vmem>>)
      %dma_start3A_206 = arith.constant 0 : i32
      %dma_start3A_207 = tpu.memref_slice %arg7[%add3A_199, %dma_start3A_206] : memref<160x128xi32, #tpu.memory_space<vmem>> -> memref<1x128xi32, #tpu.memory_space<vmem>>
      %dma_start3A_208 = tpu.memref_squeeze %dma_start3A_207 : memref<1x128xi32, #tpu.memory_space<vmem>> -> memref<128xi32, #tpu.memory_space<vmem>>
      %dma_start3A_209 = arith.constant 0 : i32
      %dma_start3A_210 = arith.constant 0 : i32
      %dma_start3A_211 = tpu.memref_slice %arg14[%dma_start3A_209, %dma_start3A_210] : memref<10240x64xf32, #tpu.memory_space<vmem_shared>> -> memref<10240x64xf32, #tpu.memory_space<vmem_shared>>
      tpu.enqueue_indirect_dma source(%arg9 : memref<128x64xf32, #tpu.memory_space<vmem>>) target(%dma_start3A_211 : memref<10240x64xf32, #tpu.memory_space<vmem_shared>>) offsets(%dma_start3A_208 : memref<128xi32, #tpu.memory_space<vmem>>) semaphore(%arg13 : memref<!tpu.dma_semaphore, #tpu.memory_space<semaphore_mem>>) {add = true}
      %add3A_212 = arith.constant 3 : i32
      %add3A_213 = arith.addi %add3A_199, %add3A_212 : i32
      %lt3A_214 = arith.constant 160 : i32
      %lt3A_215 = arith.cmpi slt, %add3A_213, %lt3A_214 : i32
      %convert_element_type3A_216 = arith.extui %lt3A_215 : i1 to i32
      %cond3A_217 = arith.constant 0 : i32
      %cond3A_218 = arith.cmpi ne, %convert_element_type3A_216, %cond3A_217 : i32
      scf.if %cond3A_218 {
        %ge3A = arith.constant 1 : i32
        %ge3A_265 = arith.cmpi sge, %add3A_199, %ge3A : i32
        %convert_element_type3A_266 = arith.extui %ge3A_265 : i1 to i32
        %cond3A_267 = arith.constant 0 : i32
        %cond3A_268 = arith.cmpi ne, %convert_element_type3A_266, %cond3A_267 : i32
        scf.if %cond3A_268 {
          %sub3A = arith.constant 1 : i32
          %sub3A_277 = arith.subi %add3A_199, %sub3A : i32
          %dma_wait3A_278 = arith.constant 0 : i32
          %dma_wait3A_279 = tpu.memref_slice %arg7[%sub3A_277, %dma_wait3A_278] : memref<160x128xi32, #tpu.memory_space<vmem>> -> memref<1x128xi32, #tpu.memory_space<vmem>>
          %dma_wait3A_280 = tpu.memref_squeeze %dma_wait3A_279 : memref<1x128xi32, #tpu.memory_space<vmem>> -> memref<128xi32, #tpu.memory_space<vmem>>
          %dma_wait3A_281 = arith.constant 0 : i32
          %dma_wait3A_282 = arith.constant 0 : i32
          %dma_wait3A_283 = tpu.memref_slice %arg14[%dma_wait3A_281, %dma_wait3A_282] : memref<10240x64xf32, #tpu.memory_space<vmem_shared>> -> memref<10240x64xf32, #tpu.memory_space<vmem_shared>>
          tpu.wait_indirect_dma semaphore(%arg13 : memref<!tpu.dma_semaphore, #tpu.memory_space<semaphore_mem>>) src(%arg8 : memref<128x64xf32, #tpu.memory_space<vmem>>) dst(%dma_wait3A_283 : memref<10240x64xf32, #tpu.memory_space<vmem_shared>>)
        } else {
        }
        %add3A_269 = arith.constant 3 : i32
        %add3A_270 = arith.addi %add3A_199, %add3A_269 : i32
        %dma_start3A_271 = arith.constant 0 : i32
        %dma_start3A_272 = tpu.memref_slice %arg6[%add3A_270, %dma_start3A_271] : memref<160x128xi32, #tpu.memory_space<vmem>> -> memref<1x128xi32, #tpu.memory_space<vmem>>
        %dma_start3A_273 = tpu.memref_squeeze %dma_start3A_272 : memref<1x128xi32, #tpu.memory_space<vmem>> -> memref<128xi32, #tpu.memory_space<vmem>>
        %dma_start3A_274 = arith.constant 0 : i32
        %dma_start3A_275 = arith.constant 0 : i32
        %dma_start3A_276 = tpu.memref_slice %arg2[%dma_start3A_274, %dma_start3A_275] : memref<20480x64xf32, #tpu.memory_space<hbm>> -> memref<20480x64xf32, #tpu.memory_space<hbm>>
        tpu.enqueue_indirect_dma source(%dma_start3A_276 : memref<20480x64xf32, #tpu.memory_space<hbm>>) target(%arg8 : memref<128x64xf32, #tpu.memory_space<vmem>>) offsets(%dma_start3A_273 : memref<128xi32, #tpu.memory_space<vmem>>) semaphore(%arg12 : memref<!tpu.dma_semaphore, #tpu.memory_space<semaphore_mem>>)
      } else {
      }
      %mul3A_219 = arith.constant 4 : i32
      %mul3A_220 = arith.muli %scan3A_175, %mul3A_219 : i32
      %add3A_221 = arith.constant 2 : i32
      %add3A_222 = arith.addi %mul3A_220, %add3A_221 : i32
      %dma_wait3A_223 = arith.constant 0 : i32
      %dma_wait3A_224 = tpu.memref_slice %arg6[%add3A_222, %dma_wait3A_223] : memref<160x128xi32, #tpu.memory_space<vmem>> -> memref<1x128xi32, #tpu.memory_space<vmem>>
      %dma_wait3A_225 = tpu.memref_squeeze %dma_wait3A_224 : memref<1x128xi32, #tpu.memory_space<vmem>> -> memref<128xi32, #tpu.memory_space<vmem>>
      %dma_wait3A_226 = arith.constant 0 : i32
      %dma_wait3A_227 = arith.constant 0 : i32
      %dma_wait3A_228 = tpu.memref_slice %arg2[%dma_wait3A_226, %dma_wait3A_227] : memref<20480x64xf32, #tpu.memory_space<hbm>> -> memref<20480x64xf32, #tpu.memory_space<hbm>>
      tpu.wait_indirect_dma semaphore(%arg12 : memref<!tpu.dma_semaphore, #tpu.memory_space<semaphore_mem>>) src(%dma_wait3A_228 : memref<20480x64xf32, #tpu.memory_space<hbm>>) dst(%arg10 : memref<128x64xf32, #tpu.memory_space<vmem>>)
      %dma_start3A_229 = arith.constant 0 : i32
      %dma_start3A_230 = tpu.memref_slice %arg7[%add3A_222, %dma_start3A_229] : memref<160x128xi32, #tpu.memory_space<vmem>> -> memref<1x128xi32, #tpu.memory_space<vmem>>
      %dma_start3A_231 = tpu.memref_squeeze %dma_start3A_230 : memref<1x128xi32, #tpu.memory_space<vmem>> -> memref<128xi32, #tpu.memory_space<vmem>>
      %dma_start3A_232 = arith.constant 0 : i32
      %dma_start3A_233 = arith.constant 0 : i32
      %dma_start3A_234 = tpu.memref_slice %arg14[%dma_start3A_232, %dma_start3A_233] : memref<10240x64xf32, #tpu.memory_space<vmem_shared>> -> memref<10240x64xf32, #tpu.memory_space<vmem_shared>>
      tpu.enqueue_indirect_dma source(%arg10 : memref<128x64xf32, #tpu.memory_space<vmem>>) target(%dma_start3A_234 : memref<10240x64xf32, #tpu.memory_space<vmem_shared>>) offsets(%dma_start3A_231 : memref<128xi32, #tpu.memory_space<vmem>>) semaphore(%arg13 : memref<!tpu.dma_semaphore, #tpu.memory_space<semaphore_mem>>) {add = true}
      %add3A_235 = arith.constant 3 : i32
      %add3A_236 = arith.addi %add3A_222, %add3A_235 : i32
      %lt3A_237 = arith.constant 160 : i32
      %lt3A_238 = arith.cmpi slt, %add3A_236, %lt3A_237 : i32
      %convert_element_type3A_239 = arith.extui %lt3A_238 : i1 to i32
      %cond3A_240 = arith.constant 0 : i32
      %cond3A_241 = arith.cmpi ne, %convert_element_type3A_239, %cond3A_240 : i32
      scf.if %cond3A_241 {
        %ge3A = arith.constant 1 : i32
        %ge3A_265 = arith.cmpi sge, %add3A_222, %ge3A : i32
        %convert_element_type3A_266 = arith.extui %ge3A_265 : i1 to i32
        %cond3A_267 = arith.constant 0 : i32
        %cond3A_268 = arith.cmpi ne, %convert_element_type3A_266, %cond3A_267 : i32
        scf.if %cond3A_268 {
          %sub3A = arith.constant 1 : i32
          %sub3A_277 = arith.subi %add3A_222, %sub3A : i32
          %dma_wait3A_278 = arith.constant 0 : i32
          %dma_wait3A_279 = tpu.memref_slice %arg7[%sub3A_277, %dma_wait3A_278] : memref<160x128xi32, #tpu.memory_space<vmem>> -> memref<1x128xi32, #tpu.memory_space<vmem>>
          %dma_wait3A_280 = tpu.memref_squeeze %dma_wait3A_279 : memref<1x128xi32, #tpu.memory_space<vmem>> -> memref<128xi32, #tpu.memory_space<vmem>>
          %dma_wait3A_281 = arith.constant 0 : i32
          %dma_wait3A_282 = arith.constant 0 : i32
          %dma_wait3A_283 = tpu.memref_slice %arg14[%dma_wait3A_281, %dma_wait3A_282] : memref<10240x64xf32, #tpu.memory_space<vmem_shared>> -> memref<10240x64xf32, #tpu.memory_space<vmem_shared>>
          tpu.wait_indirect_dma semaphore(%arg13 : memref<!tpu.dma_semaphore, #tpu.memory_space<semaphore_mem>>) src(%arg9 : memref<128x64xf32, #tpu.memory_space<vmem>>) dst(%dma_wait3A_283 : memref<10240x64xf32, #tpu.memory_space<vmem_shared>>)
        } else {
        }
        %add3A_269 = arith.constant 3 : i32
        %add3A_270 = arith.addi %add3A_222, %add3A_269 : i32
        %dma_start3A_271 = arith.constant 0 : i32
        %dma_start3A_272 = tpu.memref_slice %arg6[%add3A_270, %dma_start3A_271] : memref<160x128xi32, #tpu.memory_space<vmem>> -> memref<1x128xi32, #tpu.memory_space<vmem>>
        %dma_start3A_273 = tpu.memref_squeeze %dma_start3A_272 : memref<1x128xi32, #tpu.memory_space<vmem>> -> memref<128xi32, #tpu.memory_space<vmem>>
        %dma_start3A_274 = arith.constant 0 : i32
        %dma_start3A_275 = arith.constant 0 : i32
        %dma_start3A_276 = tpu.memref_slice %arg2[%dma_start3A_274, %dma_start3A_275] : memref<20480x64xf32, #tpu.memory_space<hbm>> -> memref<20480x64xf32, #tpu.memory_space<hbm>>
        tpu.enqueue_indirect_dma source(%dma_start3A_276 : memref<20480x64xf32, #tpu.memory_space<hbm>>) target(%arg9 : memref<128x64xf32, #tpu.memory_space<vmem>>) offsets(%dma_start3A_273 : memref<128xi32, #tpu.memory_space<vmem>>) semaphore(%arg12 : memref<!tpu.dma_semaphore, #tpu.memory_space<semaphore_mem>>)
      } else {
      }
      %mul3A_242 = arith.constant 4 : i32
      %mul3A_243 = arith.muli %scan3A_175, %mul3A_242 : i32
      %add3A_244 = arith.constant 3 : i32
      %add3A_245 = arith.addi %mul3A_243, %add3A_244 : i32
      %dma_wait3A_246 = arith.constant 0 : i32
      %dma_wait3A_247 = tpu.memref_slice %arg6[%add3A_245, %dma_wait3A_246] : memref<160x128xi32, #tpu.memory_space<vmem>> -> memref<1x128xi32, #tpu.memory_space<vmem>>
      %dma_wait3A_248 = tpu.memref_squeeze %dma_wait3A_247 : memref<1x128xi32, #tpu.memory_space<vmem>> -> memref<128xi32, #tpu.memory_space<vmem>>
      %dma_wait3A_249 = arith.constant 0 : i32
      %dma_wait3A_250 = arith.constant 0 : i32
      %dma_wait3A_251 = tpu.memref_slice %arg2[%dma_wait3A_249, %dma_wait3A_250] : memref<20480x64xf32, #tpu.memory_space<hbm>> -> memref<20480x64xf32, #tpu.memory_space<hbm>>
      tpu.wait_indirect_dma semaphore(%arg12 : memref<!tpu.dma_semaphore, #tpu.memory_space<semaphore_mem>>) src(%dma_wait3A_251 : memref<20480x64xf32, #tpu.memory_space<hbm>>) dst(%arg11 : memref<128x64xf32, #tpu.memory_space<vmem>>)
      %dma_start3A_252 = arith.constant 0 : i32
      %dma_start3A_253 = tpu.memref_slice %arg7[%add3A_245, %dma_start3A_252] : memref<160x128xi32, #tpu.memory_space<vmem>> -> memref<1x128xi32, #tpu.memory_space<vmem>>
      %dma_start3A_254 = tpu.memref_squeeze %dma_start3A_253 : memref<1x128xi32, #tpu.memory_space<vmem>> -> memref<128xi32, #tpu.memory_space<vmem>>
      %dma_start3A_255 = arith.constant 0 : i32
      %dma_start3A_256 = arith.constant 0 : i32
      %dma_start3A_257 = tpu.memref_slice %arg14[%dma_start3A_255, %dma_start3A_256] : memref<10240x64xf32, #tpu.memory_space<vmem_shared>> -> memref<10240x64xf32, #tpu.memory_space<vmem_shared>>
      tpu.enqueue_indirect_dma source(%arg11 : memref<128x64xf32, #tpu.memory_space<vmem>>) target(%dma_start3A_257 : memref<10240x64xf32, #tpu.memory_space<vmem_shared>>) offsets(%dma_start3A_254 : memref<128xi32, #tpu.memory_space<vmem>>) semaphore(%arg13 : memref<!tpu.dma_semaphore, #tpu.memory_space<semaphore_mem>>) {add = true}
      %add3A_258 = arith.constant 3 : i32
      %add3A_259 = arith.addi %add3A_245, %add3A_258 : i32
      %lt3A_260 = arith.constant 160 : i32
      %lt3A_261 = arith.cmpi slt, %add3A_259, %lt3A_260 : i32
      %convert_element_type3A_262 = arith.extui %lt3A_261 : i1 to i32
      %cond3A_263 = arith.constant 0 : i32
      %cond3A_264 = arith.cmpi ne, %convert_element_type3A_262, %cond3A_263 : i32
      scf.if %cond3A_264 {
        %ge3A = arith.constant 1 : i32
        %ge3A_265 = arith.cmpi sge, %add3A_245, %ge3A : i32
        %convert_element_type3A_266 = arith.extui %ge3A_265 : i1 to i32
        %cond3A_267 = arith.constant 0 : i32
        %cond3A_268 = arith.cmpi ne, %convert_element_type3A_266, %cond3A_267 : i32
        scf.if %cond3A_268 {
          %sub3A = arith.constant 1 : i32
          %sub3A_277 = arith.subi %add3A_245, %sub3A : i32
          %dma_wait3A_278 = arith.constant 0 : i32
          %dma_wait3A_279 = tpu.memref_slice %arg7[%sub3A_277, %dma_wait3A_278] : memref<160x128xi32, #tpu.memory_space<vmem>> -> memref<1x128xi32, #tpu.memory_space<vmem>>
          %dma_wait3A_280 = tpu.memref_squeeze %dma_wait3A_279 : memref<1x128xi32, #tpu.memory_space<vmem>> -> memref<128xi32, #tpu.memory_space<vmem>>
          %dma_wait3A_281 = arith.constant 0 : i32
          %dma_wait3A_282 = arith.constant 0 : i32
          %dma_wait3A_283 = tpu.memref_slice %arg14[%dma_wait3A_281, %dma_wait3A_282] : memref<10240x64xf32, #tpu.memory_space<vmem_shared>> -> memref<10240x64xf32, #tpu.memory_space<vmem_shared>>
          tpu.wait_indirect_dma semaphore(%arg13 : memref<!tpu.dma_semaphore, #tpu.memory_space<semaphore_mem>>) src(%arg10 : memref<128x64xf32, #tpu.memory_space<vmem>>) dst(%dma_wait3A_283 : memref<10240x64xf32, #tpu.memory_space<vmem_shared>>)
        } else {
        }
        %add3A_269 = arith.constant 3 : i32
        %add3A_270 = arith.addi %add3A_245, %add3A_269 : i32
        %dma_start3A_271 = arith.constant 0 : i32
        %dma_start3A_272 = tpu.memref_slice %arg6[%add3A_270, %dma_start3A_271] : memref<160x128xi32, #tpu.memory_space<vmem>> -> memref<1x128xi32, #tpu.memory_space<vmem>>
        %dma_start3A_273 = tpu.memref_squeeze %dma_start3A_272 : memref<1x128xi32, #tpu.memory_space<vmem>> -> memref<128xi32, #tpu.memory_space<vmem>>
        %dma_start3A_274 = arith.constant 0 : i32
        %dma_start3A_275 = arith.constant 0 : i32
        %dma_start3A_276 = tpu.memref_slice %arg2[%dma_start3A_274, %dma_start3A_275] : memref<20480x64xf32, #tpu.memory_space<hbm>> -> memref<20480x64xf32, #tpu.memory_space<hbm>>
        tpu.enqueue_indirect_dma source(%dma_start3A_276 : memref<20480x64xf32, #tpu.memory_space<hbm>>) target(%arg10 : memref<128x64xf32, #tpu.memory_space<vmem>>) offsets(%dma_start3A_273 : memref<128xi32, #tpu.memory_space<vmem>>) semaphore(%arg12 : memref<!tpu.dma_semaphore, #tpu.memory_space<semaphore_mem>>)
      } else {
      }
    }
    %scan3A_139 = arith.constant 40 : i32
    %dma_wait3A_140 = arith.constant 156 : i32
    %dma_wait3A_141 = arith.constant 0 : i32
    %dma_wait3A_142 = tpu.memref_slice %arg7[%dma_wait3A_140, %dma_wait3A_141] : memref<160x128xi32, #tpu.memory_space<vmem>> -> memref<1x128xi32, #tpu.memory_space<vmem>>
    %dma_wait3A_143 = tpu.memref_squeeze %dma_wait3A_142 : memref<1x128xi32, #tpu.memory_space<vmem>> -> memref<128xi32, #tpu.memory_space<vmem>>
    %dma_wait3A_144 = arith.constant 0 : i32
    %dma_wait3A_145 = arith.constant 0 : i32
    %dma_wait3A_146 = tpu.memref_slice %arg14[%dma_wait3A_144, %dma_wait3A_145] : memref<10240x64xf32, #tpu.memory_space<vmem_shared>> -> memref<10240x64xf32, #tpu.memory_space<vmem_shared>>
    tpu.wait_indirect_dma semaphore(%arg13 : memref<!tpu.dma_semaphore, #tpu.memory_space<semaphore_mem>>) src(%arg8 : memref<128x64xf32, #tpu.memory_space<vmem>>) dst(%dma_wait3A_146 : memref<10240x64xf32, #tpu.memory_space<vmem_shared>>)
    %dma_wait3A_147 = arith.constant 157 : i32
    %dma_wait3A_148 = arith.constant 0 : i32
    %dma_wait3A_149 = tpu.memref_slice %arg7[%dma_wait3A_147, %dma_wait3A_148] : memref<160x128xi32, #tpu.memory_space<vmem>> -> memref<1x128xi32, #tpu.memory_space<vmem>>
    %dma_wait3A_150 = tpu.memref_squeeze %dma_wait3A_149 : memref<1x128xi32, #tpu.memory_space<vmem>> -> memref<128xi32, #tpu.memory_space<vmem>>
    %dma_wait3A_151 = arith.constant 0 : i32
    %dma_wait3A_152 = arith.constant 0 : i32
    %dma_wait3A_153 = tpu.memref_slice %arg14[%dma_wait3A_151, %dma_wait3A_152] : memref<10240x64xf32, #tpu.memory_space<vmem_shared>> -> memref<10240x64xf32, #tpu.memory_space<vmem_shared>>
    tpu.wait_indirect_dma semaphore(%arg13 : memref<!tpu.dma_semaphore, #tpu.memory_space<semaphore_mem>>) src(%arg9 : memref<128x64xf32, #tpu.memory_space<vmem>>) dst(%dma_wait3A_153 : memref<10240x64xf32, #tpu.memory_space<vmem_shared>>)
    %dma_wait3A_154 = arith.constant 158 : i32
    %dma_wait3A_155 = arith.constant 0 : i32
    %dma_wait3A_156 = tpu.memref_slice %arg7[%dma_wait3A_154, %dma_wait3A_155] : memref<160x128xi32, #tpu.memory_space<vmem>> -> memref<1x128xi32, #tpu.memory_space<vmem>>
    %dma_wait3A_157 = tpu.memref_squeeze %dma_wait3A_156 : memref<1x128xi32, #tpu.memory_space<vmem>> -> memref<128xi32, #tpu.memory_space<vmem>>
    %dma_wait3A_158 = arith.constant 0 : i32
    %dma_wait3A_159 = arith.constant 0 : i32
    %dma_wait3A_160 = tpu.memref_slice %arg14[%dma_wait3A_158, %dma_wait3A_159] : memref<10240x64xf32, #tpu.memory_space<vmem_shared>> -> memref<10240x64xf32, #tpu.memory_space<vmem_shared>>
    tpu.wait_indirect_dma semaphore(%arg13 : memref<!tpu.dma_semaphore, #tpu.memory_space<semaphore_mem>>) src(%arg10 : memref<128x64xf32, #tpu.memory_space<vmem>>) dst(%dma_wait3A_160 : memref<10240x64xf32, #tpu.memory_space<vmem_shared>>)
    %dma_wait3A_161 = arith.constant 159 : i32
    %dma_wait3A_162 = arith.constant 0 : i32
    %dma_wait3A_163 = tpu.memref_slice %arg7[%dma_wait3A_161, %dma_wait3A_162] : memref<160x128xi32, #tpu.memory_space<vmem>> -> memref<1x128xi32, #tpu.memory_space<vmem>>
    %dma_wait3A_164 = tpu.memref_squeeze %dma_wait3A_163 : memref<1x128xi32, #tpu.memory_space<vmem>> -> memref<128xi32, #tpu.memory_space<vmem>>
    %dma_wait3A_165 = arith.constant 0 : i32
    %dma_wait3A_166 = arith.constant 0 : i32
    %dma_wait3A_167 = tpu.memref_slice %arg14[%dma_wait3A_165, %dma_wait3A_166] : memref<10240x64xf32, #tpu.memory_space<vmem_shared>> -> memref<10240x64xf32, #tpu.memory_space<vmem_shared>>
    tpu.wait_indirect_dma semaphore(%arg13 : memref<!tpu.dma_semaphore, #tpu.memory_space<semaphore_mem>>) src(%arg11 : memref<128x64xf32, #tpu.memory_space<vmem>>) dst(%dma_wait3A_167 : memref<10240x64xf32, #tpu.memory_space<vmem_shared>>)
    %barrier3A_168 = arith.constant 0 : index
    tpu.barrier barrier_id(%barrier3A_168)
    %mul3A_169 = arith.constant 640 : i32
    %mul3A_170 = arith.muli %arg1, %mul3A_169 : i32
    %mul3A_171 = arith.constant 640 : i32
    %mul3A_172 = arith.muli %arg1, %mul3A_171 : i32
    %mul3A_173 = arith.constant 64 : i32
    %mul3A_174 = arith.muli %arg0, %mul3A_173 : i32
    "tpu.region"() ({
      %run_scoped3A = tpu.sem_alloc : memref<!tpu.dma_semaphore, #tpu.memory_space<semaphore_mem>>
      %dma_start3A_175 = tpu.memref_slice %arg5[%mul3A_172, %mul3A_174] : memref<10240x128xf32, #tpu.memory_space<hbm>> -> memref<640x64xf32, #tpu.memory_space<hbm>>
      %dma_start3A_176 = arith.constant 0 : i32
      %dma_start3A_177 = tpu.memref_slice %arg14[%mul3A_170, %dma_start3A_176] : memref<10240x64xf32, #tpu.memory_space<vmem_shared>> -> memref<640x64xf32, #tpu.memory_space<vmem_shared>>
      tpu.enqueue_dma source(%dma_start3A_177 : memref<640x64xf32, #tpu.memory_space<vmem_shared>>) target(%dma_start3A_175 : memref<640x64xf32, #tpu.memory_space<hbm>>) target_semaphore(%run_scoped3A : memref<!tpu.dma_semaphore, #tpu.memory_space<semaphore_mem>>)
      %dma_wait3A_178 = tpu.memref_slice %arg5[%mul3A_172, %mul3A_174] : memref<10240x128xf32, #tpu.memory_space<hbm>> -> memref<640x64xf32, #tpu.memory_space<hbm>>
      %dma_wait3A_179 = arith.constant 0 : i32
      %dma_wait3A_180 = tpu.memref_slice %arg14[%mul3A_170, %dma_wait3A_179] : memref<10240x64xf32, #tpu.memory_space<vmem_shared>> -> memref<640x64xf32, #tpu.memory_space<vmem_shared>>
      tpu.wait_dma2 semaphore(%run_scoped3A : memref<!tpu.dma_semaphore, #tpu.memory_space<semaphore_mem>>) src(%dma_wait3A_180 : memref<640x64xf32, #tpu.memory_space<vmem_shared>>) dst(%dma_wait3A_178 : memref<640x64xf32, #tpu.memory_space<hbm>>)
      tpu.yield
    }) : () -> ()
    return
  }
}

module attributes {stable_mosaic.version = 14 : i64} {
  func.func @body(%arg0: memref<10240x128xf32, #tpu.memory_space<vmem>>, %arg1: memref<10240x1xf32, #tpu.memory_space<vmem>>, %arg2: memref<10240x128xf32, #tpu.memory_space<vmem>>) attributes {dimension_semantics = [], scalar_prefetch = 0 : i64, scratch_operands = 0 : i64, tpu.core_type = #tpu.core_type<tc>} {
    %get3A = arith.constant 0 : index
    %get3A_0 = arith.constant 0 : index
    %get3A_1 = vector.load %arg0[%get3A, %get3A_0] : memref<10240x128xf32, #tpu.memory_space<vmem>>, vector<10240x128xf32>
    %get3A_2 = arith.constant 0 : index
    %get3A_3 = arith.constant 0 : index
    %get3A_4 = vector.load %arg1[%get3A_2, %get3A_3] : memref<10240x1xf32, #tpu.memory_space<vmem>>, vector<10240x1xf32>
    %mul3A = vector.broadcast %get3A_4 : vector<10240x1xf32> to vector<10240x128xf32>
    %mul3A_5 = arith.mulf %get3A_1, %mul3A : vector<10240x128xf32>
    %swap3A = arith.constant 0 : index
    %swap3A_6 = arith.constant 0 : index
    %swap3A_7 = vector.load %arg2[%swap3A, %swap3A_6] : memref<10240x128xf32, #tpu.memory_space<vmem>>, vector<10240x128xf32>
    tpu.vector_store %arg2[%swap3A, %swap3A_6], %mul3A_5 {strides = array<i32>} : memref<10240x128xf32, #tpu.memory_space<vmem>>, vector<10240x128xf32>,
    return
  }
}

module attributes {stable_mosaic.version = 14 : i64} {
  func.func @body(%arg0: memref<10240x128xf32, #tpu.memory_space<vmem>>, %arg1: memref<10240x1xf32, #tpu.memory_space<vmem>>, %arg2: memref<10240x1xf32, #tpu.memory_space<vmem>>, %arg3: memref<128x128xf32, #tpu.memory_space<vmem>>, %arg4: memref<1x128xf32, #tpu.memory_space<vmem>>, %arg5: memref<10240x128xf32, #tpu.memory_space<vmem>>) attributes {dimension_semantics = [], scalar_prefetch = 0 : i64, scratch_operands = 0 : i64, tpu.core_type = #tpu.core_type<tc>} {
    %get3A = arith.constant 0 : index
    %get3A_0 = arith.constant 0 : index
    %get3A_1 = vector.load %arg0[%get3A, %get3A_0] : memref<10240x128xf32, #tpu.memory_space<vmem>>, vector<10240x128xf32>
    %get3A_2 = arith.constant 0 : index
    %get3A_3 = arith.constant 0 : index
    %get3A_4 = vector.load %arg1[%get3A_2, %get3A_3] : memref<10240x1xf32, #tpu.memory_space<vmem>>, vector<10240x1xf32>
    %mul3A = vector.broadcast %get3A_4 : vector<10240x1xf32> to vector<10240x128xf32>
    %mul3A_5 = arith.mulf %get3A_1, %mul3A : vector<10240x128xf32>
    %get3A_6 = arith.constant 0 : index
    %get3A_7 = arith.constant 0 : index
    %get3A_8 = vector.load %arg3[%get3A_6, %get3A_7] : memref<128x128xf32, #tpu.memory_space<vmem>>, vector<128x128xf32>
    %dot_general3A = arith.constant dense<0.000000e+00> : vector<10240x128xf32>
    %dot_general3A_9 = tpu.matmul %mul3A_5, %get3A_8, %dot_general3A {dimension_numbers = #tpu.dot_dimension_numbers<[1], [0], [0], [1], [0, 0, 1, 1], [], []>, transpose_lhs_hint = false} : vector<10240x128xf32>, vector<128x128xf32>, vector<10240x128xf32> -> vector<10240x128xf32>
    %get3A_10 = arith.constant 0 : index
    %get3A_11 = arith.constant 0 : index
    %get3A_12 = vector.load %arg4[%get3A_10, %get3A_11] : memref<1x128xf32, #tpu.memory_space<vmem>>, vector<1x128xf32>
    %add3A = vector.broadcast %get3A_12 : vector<1x128xf32> to vector<10240x128xf32>
    %add3A_13 = arith.addf %dot_general3A_9, %add3A : vector<10240x128xf32>
    %max3A = arith.constant 0.000000e+00 : f32
    %max3A_14 = vector.broadcast %max3A : f32 to vector<10240x128xf32>
    %max3A_15 = arith.maximumf %add3A_13, %max3A_14 : vector<10240x128xf32>
    %get3A_16 = arith.constant 0 : index
    %get3A_17 = arith.constant 0 : index
    %get3A_18 = vector.load %arg2[%get3A_16, %get3A_17] : memref<10240x1xf32, #tpu.memory_space<vmem>>, vector<10240x1xf32>
    %mul3A_19 = vector.broadcast %get3A_18 : vector<10240x1xf32> to vector<10240x128xf32>
    %mul3A_20 = arith.mulf %max3A_15, %mul3A_19 : vector<10240x128xf32>
    %swap3A = arith.constant 0 : index
    %swap3A_21 = arith.constant 0 : index
    %swap3A_22 = vector.load %arg5[%swap3A, %swap3A_21] : memref<10240x128xf32, #tpu.memory_space<vmem>>, vector<10240x128xf32>
    tpu.vector_store %arg5[%swap3A, %swap3A_21], %mul3A_20 {strides = array<i32>} : memref<10240x128xf32, #tpu.memory_space<vmem>>, vector<10240x128xf32>,
    return
  }
}

module attributes {stable_mosaic.version = 14 : i64} {
  func.func @body(%arg0: memref<10240x128xf32, #tpu.memory_space<vmem>>, %arg1: memref<10240x1xf32, #tpu.memory_space<vmem>>, %arg2: memref<128x128xf32, #tpu.memory_space<vmem>>, %arg3: memref<1x128xf32, #tpu.memory_space<vmem>>, %arg4: memref<10000x128xf32, #tpu.memory_space<vmem>>) attributes {dimension_semantics = [], scalar_prefetch = 0 : i64, scratch_operands = 0 : i64, tpu.core_type = #tpu.core_type<tc>} {
    %get3A = arith.constant 0 : index
    %get3A_0 = arith.constant 0 : index
    %get3A_1 = vector.load %arg0[%get3A, %get3A_0] : memref<10240x128xf32, #tpu.memory_space<vmem>>, vector<10000x128xf32>
    %get3A_2 = arith.constant 0 : index
    %get3A_3 = arith.constant 0 : index
    %get3A_4 = vector.load %arg1[%get3A_2, %get3A_3] : memref<10240x1xf32, #tpu.memory_space<vmem>>, vector<10000x1xf32>
    %mul3A = vector.broadcast %get3A_4 : vector<10000x1xf32> to vector<10000x128xf32>
    %mul3A_5 = arith.mulf %get3A_1, %mul3A : vector<10000x128xf32>
    %get3A_6 = arith.constant 0 : index
    %get3A_7 = arith.constant 0 : index
    %get3A_8 = vector.load %arg2[%get3A_6, %get3A_7] : memref<128x128xf32, #tpu.memory_space<vmem>>, vector<128x128xf32>
    %dot_general3A = arith.constant dense<0.000000e+00> : vector<10000x128xf32>
    %dot_general3A_9 = tpu.matmul %mul3A_5, %get3A_8, %dot_general3A {dimension_numbers = #tpu.dot_dimension_numbers<[1], [0], [0], [1], [0, 0, 1, 1], [], []>, transpose_lhs_hint = false} : vector<10000x128xf32>, vector<128x128xf32>, vector<10000x128xf32> -> vector<10000x128xf32>
    %get3A_10 = arith.constant 0 : index
    %get3A_11 = arith.constant 0 : index
    %get3A_12 = vector.load %arg3[%get3A_10, %get3A_11] : memref<1x128xf32, #tpu.memory_space<vmem>>, vector<1x128xf32>
    %add3A = vector.broadcast %get3A_12 : vector<1x128xf32> to vector<10000x128xf32>
    %add3A_13 = arith.addf %dot_general3A_9, %add3A : vector<10000x128xf32>
    %swap3A = arith.constant 0 : index
    %swap3A_14 = arith.constant 0 : index
    %swap3A_15 = vector.load %arg4[%swap3A, %swap3A_14] : memref<10000x128xf32, #tpu.memory_space<vmem>>, vector<10000x128xf32>
    tpu.vector_store %arg4[%swap3A, %swap3A_14], %add3A_13 {strides = array<i32>} : memref<10000x128xf32, #tpu.memory_space<vmem>>, vector<10000x128xf32>,
    return
  }
}

</mosaic_0001>

<sc_bundles>
// kernel: kernel.11.cloned.1.call-start
scs
__scs_entry_jumppad:
0x0: {  	(pc) =	sbr.rel $0x88, $3  }
0x1: {  	(tag) =	ssettag $0x0;
	lr =	simm.s32 $0x1  }
0x2: {  	[smem:$0x3F9B] =	sst lr;
	_ =	strace $0xD0000000  }
0x3: {  	_ = 	snop  }
0x4: {  	_ = 	snop  }
0x5: {  	_ = 	snop  }
0x6: {  	_ = 	snop  }
0x7: {  	_ = 	snop  }
__scs_overlays_trampoline_lowered:
0x8: {  	[smem:$0x3FAA] =	sst s0  }
0x9: {  	[smem:$0x3FAB] =	sst s1  }
0xa: {  	[smem:$0x3FAC] =	sst s2  }
0xb: {  	[smem:$0x3FAD] =	sst s3  }
0xc: {  	[smem:$0x3FAE] =	sst s4  }
0xd: {  	[smem:$0x3FAF] =	sst s5  }
0xe: {  	[smem:$0x3FB0] =	sst s6  }
0xf: {  	[smem:$0x3FB1] =	sst s7  }
0x10: {  	[smem:$0x3FB2] =	sst s8  }
0x11: {  	[smem:$0x3FB3] =	sst s9;
	s0 =	simm.s32 @!p0 $0x0  }
0x12: {  	s1 =	sld [smem:$0x3F99];
	s0 =	simm.s32 @p0 $0x1  }
0x13: {  	[smem:$0x3FB4] =	sst s0;
	s0 =	simm.s32 @!p1 $0x0  }
0x14: {  	s2 =	sld [smem:$0x3F98];
	s0 =	simm.s32 @p1 $0x1  }
0x15: {  	[smem:$0x3FB5] =	sst s0;
	s0 =	simm.s32 @!p2 $0x0  }
0x16: {  	s3 =	sld [smem:$0x3FDB];
	s0 =	simm.s32 @p2 $0x1  }
0x17: {  	s4 =	simm.s32 $0x1BF5;
	[smem:$0x3FB7] =	sst s0  }
0x18: {  	s0 =	sld [smem:$0x3F9A];
	_ =	swait.ge [sflag:s4], $0x0  }
0x19: {  	s7 =	sld [smem:$0x3F9B]  }
0x1a: {  	s8 =	sadd.s32 $0xFFFFE003, lr  }
0x1b: {  	s9 =	sadd.s32 $0xFFFFFEF7, lr;
	s5 =	simm.s32 $0xFFFFFFFF;
	p2 =	slt.u32 s8, $0xFFFFF086  }
0x1c: {  	p1 =	slt.u32 s9, $0xF7A;
	s5 =	simm.s32 @!p2 $0x0  }
0x1d: {  	s5 =	simm.s32 @p1 $0x1;
	p0 =	seq.s32 s7, s2  }
0x1e: {  	s7 =	smul.u32 @!p0 $0xF7A, s2;
	p2 =	seq.s32 @!p0 s5, $0x0  }
0x1f: {  	s9 =	smul.u32 $0xF7A, s1;
	s8 =	simm.s32 @!p0 $0x1BF5;
	p2 =	por !p2, p0  }
0x20: {  	[sflag:s8] =	ssyncset.s32 @!p0 $0xFFFFF086;
	s6 =	sadd.s32 @!p0 s3, s7;
	s7 =	simm.s32 @!p0 $0x108  }
0x21: {  	s3 =	sadd.s32 s3, s9;
	s6 =	sadd.s32 @!p0 $0x88, s6;
	s7 =	simm.s32 @p2 $0x1082  }
0x22: {  	[simem:s7], [sflag:s8] =	dma.local @!p0 [hbm:s6], $0xF7A  }
0x23: {  	s9 =	sor.u32 $0xD0000000, s2;
	s6 =	simm.s32 $0x108;
	_ =	swait.ge @!p0 [sflag:s8], $0x0  }
0x24: {  	s3 =	sadd.s32 $0x88, s3;
	s6 =	simm.s32 @!p1 $0x1082;
	[sflag:s4] =	ssyncset.s32 $0xFFFFF086  }
0x25: {  	[simem:s6], [sflag:s4] =	dma.local [hbm:s3], $0xF7A  }
0x26: {  	[smem:$0x3F9B] =	sst s1;
	(tag) =	ssettag s2;
	_ =	strace s9  }
0x27: {  	s1 =	sld [smem:$0x3FAB]  }
0x28: {  	s2 =	sld [smem:$0x3FAC]  }
0x29: {  	s4 =	sld [smem:$0x3FAE]  }
0x2a: {  	p0 =	seq.s32 s5, $0x0;
	s5 =	sld [smem:$0x3FAF]  }
0x2b: {  	s6 =	sld [smem:$0x3FB0]  }
0x2c: {  	s7 =	sld [smem:$0x3FB1]  }
0x2d: {  	s3 =	simm.s32 $0x108;
	s8 =	sld [smem:$0x3FB2]  }
0x2e: {  	s3 =	simm.s32 @!p0 $0x1082;
	s9 =	sld [smem:$0x3FB3]  }
0x2f: {  	lr =	sadd.s32 s0, s3;
	s0 =	sld [smem:$0x3FAA]  }
0x30: {  	s3 =	sld [smem:$0x3FAD]  }
0x31: {  	[smem:$0x3FB6] =	sst s10  }
0x32: {  	s10 =	sld [smem:$0x3FB4];
	_ =	sdelay $0x3  }
0x33: {  	p0 =	seq.s32 s10, $0x1;
	s10 =	sld [smem:$0x3FB6];
	_ =	sdelay $0x3  }
0x34: {  	[smem:$0x3FB6] =	sst s10  }
0x35: {  	s10 =	sld [smem:$0x3FB5];
	_ =	sdelay $0x3  }
0x36: {  	p1 =	seq.s32 s10, $0x1;
	s10 =	sld [smem:$0x3FB6];
	_ =	sdelay $0x3  }
0x37: {  	[smem:$0x3FB6] =	sst s10  }
0x38: {  	s10 =	sld [smem:$0x3FB7]  }
0x39: {  	_ = 	snop;
	(pc) =	sbr.ind lr, $3  }
0x3a: {  	_ = 	snop  }
0x3b: {  	_ = 	snop  }
0x3c: {  	p2 =	seq.s32 s10, $0x1;
	s10 =	sld [smem:$0x3FB6]  }
0x3d: {  	_ =	shalt  }
0x3e: {  	_ =	shalt  }
0x3f: {  	_ =	shalt  }
0x40: {  	_ =	shalt  }
0x41: {  	_ =	shalt  }
0x42: {  	_ =	shalt  }
0x43: {  	_ =	shalt  }
0x44: {  	_ =	shalt  }
0x45: {  	_ =	shalt  }
0x46: {  	_ =	shalt  }
0x47: {  	_ =	shalt  }
0x48: {  	_ =	shalt  }
0x49: {  	_ =	shalt  }
0x4a: {  	_ =	shalt  }
0x4b: {  	_ =	shalt  }
0x4c: {  	_ =	shalt  }
0x4d: {  	_ =	shalt  }
0x4e: {  	_ =	shalt  }
0x4f: {  	_ =	shalt  }
0x50: {  	_ =	shalt  }
0x51: {  	_ =	shalt  }
0x52: {  	_ =	shalt  }
0x53: {  	_ =	shalt  }
0x54: {  	_ =	shalt  }
0x55: {  	_ =	shalt  }
0x56: {  	_ =	shalt  }
0x57: {  	_ =	shalt  }
0x58: {  	_ =	shalt  }
0x59: {  	_ =	shalt  }
0x5a: {  	_ =	shalt  }
0x5b: {  	_ =	shalt  }
0x5c: {  	_ =	shalt  }
0x5d: {  	_ =	shalt  }
0x5e: {  	_ =	shalt  }
0x5f: {  	_ =	shalt  }
0x60: {  	_ =	shalt  }
0x61: {  	_ =	shalt  }
0x62: {  	_ =	shalt  }
0x63: {  	_ =	shalt  }
0x64: {  	_ =	shalt  }
0x65: {  	_ =	shalt  }
0x66: {  	_ =	shalt  }
0x67: {  	_ =	shalt  }
0x68: {  	_ =	shalt  }
0x69: {  	_ =	shalt  }
0x6a: {  	_ =	shalt  }
0x6b: {  	_ =	shalt  }
0x6c: {  	_ =	shalt  }
0x6d: {  	_ =	shalt  }
0x6e: {  	_ =	shalt  }
0x6f: {  	_ =	shalt  }
0x70: {  	_ =	shalt  }
0x71: {  	_ =	shalt  }
0x72: {  	_ =	shalt  }
0x73: {  	_ =	shalt  }
0x74: {  	_ =	shalt  }
0x75: {  	_ =	shalt  }
0x76: {  	_ =	shalt  }
0x77: {  	_ =	shalt  }
0x78: {  	_ =	shalt  }
0x79: {  	_ =	shalt  }
0x7a: {  	_ =	shalt  }
0x7b: {  	_ =	shalt  }
0x7c: {  	_ =	shalt  }
0x7d: {  	_ =	shalt  }
0x7e: {  	_ =	shalt  }
0x7f: {  	_ =	shalt  }
0x80: {  	_ =	shalt  }
0x81: {  	_ =	shalt  }
0x82: {  	_ =	shalt  }
0x83: {  	_ =	shalt  }
0x84: {  	_ =	shalt  }
0x85: {  	_ =	shalt  }
0x86: {  	_ =	shalt  }
0x87: {  	_ =	shalt  }
.Lfunc_end0:
.L_simem_size_0:
called_computation.1_lowered:
.L_overlay_start_0:
0x88: {  	s2 =	sld [smem:$0x3FD9]  }
0x89: {  	s3 =	sld [smem:$0x3FFE];
	_ =	sdelay $0x1  }
0x8a: {  	s1 =	srdreg.scid  }
0x8b: {  	s0 =	sand.u32 $0x1, s1  }
0x8c: {  	s17 =	sshll.u32 s0, $0xA;
	s2 =	sadd.s32 s3, s2  }
0x8d: {  	s2 =	sadd.s32 s2, s17  }
0x8e: {  	[smem:$0x3FC2] =	sst s2  }
0x8f: {  	_ = 	snop  }
0x90: {  	s2 =	sld [smem:$0x3FD0];
	(tm) =	ssettm $0x1  }
0x91: {  	s18 =	sld [smem:$0x3FFB];
	_ =	sdelay $0x3  }
0x92: {  	_ =	strace s18  }
0x93: {  	s3 =	sld [smem:$0x3FFC];
	_ =	sdelay $0x3  }
0x94: {  	_ =	strace s3  }
0x95: {  	s3 =	sld [smem:$0x3FFD];
	_ =	sdelay $0x3  }
0x96: {  	_ =	strace s3  }
0x97: {  	_ =	strace $0x8FFFFFFF  }
0x98: {  	s19 =	sld [smem:$0x3FDB];
	_ =	sdelay $0x1  }
0x99: {  	s4 =	simm.s32 $_scs_section_size  }
0x9a: {  	s5 =	simm.s32 $_size__tile_overlayer_lowered;
	s6 =	simm.s32 $_tile_overlayer_lowered  }
0x9b: {  	s22 =	simm.s32 $0x1BFF;
	s21 =	sshll.u32 s6, $0x1;
	s3 =	sadd.s32 s4, s19  }
0x9c: {  	s7 =	simm.s32 $0x0;
	s20 =	sshll.u32 s5, $0x1;
	s5 =	sadd.s32 s21, s3  }
0x9d: {  	[timem:s7], [sflag:s22] =	dma.local [hbm:s5], s20  }
0x9e: {  	_ =	swait.ge [sflag:s22], s20  }
0x9f: {  	s4 =	ssub.s32 $0x0, s20;
	[sflag:s22] =	ssyncset.done $0x0  }
0xa0: {  	[sflag:s22] =	ssyncadd.s32 s4;
	_ =	sdelay $0x1  }
0xa1: {  	s23 =	simm.s32 $0x1B8B  }
0xa2: {  	_ =	swait.ge [sflag:s23], $0x1  }
0xa3: {  	[sflag:s23] =	ssyncset.done $0x0  }
0xa4: {  	s25 =	simm.s32 $0x1B8E;
	s24 =	sld [smem:$0x3FFE];
	[sflag:s23] =	ssyncadd.s32 $0xFFFFFFFF  }
0xa5: {  	s26 =	simm.s32 $execute0_lowered;
	[smem:$0x3FD2] =	sst s25  }
0xa6: {  	s5 =	sshll.u32 s26, $0x1;
	_ =	strace $0x80000049;
	[dreg:$0x1] =	wrdreg $0xFFFFFFFF  }
0xa7: {  	s28 =	simm.s32 $_size_execute0_lowered;
	s3 =	sadd.s32 s3, s5;
	[dreg:$0x0] =	wrdreg $0x0  }
0xa8: {  	s5 =	sshll.u32 s28, $0x1;
	[dreg:$0x2] =	wrdreg s3  }
0xa9: {  	[dreg:$0x3] =	wrdreg s5  }
0xaa: {  	[dreg:$0x4] =	wrdreg $0xC0  }
0xab: {  	_ =	task [dreg:s7], $0x5FFFF  }
0xac: {  	[dreg:$0x1] =	wrdreg $0xFFFFFFFF  }
0xad: {  	[dreg:$0x0] =	wrdreg $0x60  }
0xae: {  	[dreg:$0x2] =	wrdreg s24  }
0xaf: {  	[dreg:$0x3] =	wrdreg s2  }
0xb0: {  	[dreg:$0x4] =	wrdreg $0x120000  }
0xb1: {  	[dreg:$0x5] =	wrdreg $0x9  }
0xb2: {  	_ =	task.clear_ibuf [dreg:s7], $0x6FFFF;
	_ =	strace $0x90000049  }
0xb3: {  	s29 =	simm.s32 $0x9;
	_ =	strace $0x8000004B  }
0xb4: {  	_ =	swait.ge [sflag:s29], $0x1  }
0xb5: {  	[sflag:s29] =	ssyncadd.s32 $0xFFFFFFFF  }
0xb6: {  	_ =	strace $0x9000004B  }
0xb7: {  	_ =	sfence  }
0xb8: {  	s30 =	sld [smem:$0x0];
	_ =	sdelay $0x2  }
0xb9: {  	s31 =	sshll.u32 s1, $0xD;
	s1 =	sshrl.u32 s1, $0x2  }
0xba: {  	s3 =	sand.u32 $0x4000, s31;
	s1 =	sadd.s32 s1, s30  }
0xbb: {  	s0 =	sor.u32 s3, s0;
	s1 =	sshll.u32 s1, $0x11  }
0xbc: {  	s0 =	sor.u32 s1, s0  }
0xbd: {  	s0 =	sadd.s32 $0x8F2B, s0  }
0xbe: {  	[sflag:s0] =	ssyncadd.remote.s32 $0x1  }
0xbf: {  	_ =	sfence.sel $0xFFFF  }
0xc0: {  	[dreg:$0x0] =	wrdreg $0xFFFFFFFF;
	(pc) =	sbr.abs _section_cstart, $3  }
0xc1: {  	[dreg:$0x1] =	wrdreg $0xFFFFFFFF  }
0xc2: {  	_ =	task.clear_ibuf [dreg:s7], $0x2FFFF;
	_ =	strace $0x9FFFFFFF  }
0xc3: {  	(tm) =	ssettm $0x7FFFFFFF  }
tec
execute0_lowered:
.L_overlay_start_1:
0x0: {  	(tag) =	ssettag $0x1  }
0x1: {  	s0 =	rddreg [dreg:$0x0]  }
0x2: {  	s1 =	rddreg [dreg:$0x1]  }
0x3: {  	s2 =	rddreg [dreg:$0x2]  }
0x4: {  	s10 =	stileid.u32;
	s3 =	simm.s32 $0x0;
	s4 =	srdreg.scid  }
0x5: {  	s14 =	simm.s32 $0x5000;
	s15 =	simm.s32 $0xA000;
	s16 =	simm.s32 $0x1  }
0x6: {  	s17 =	simm.s32 $0x2;
	s18 =	simm.s32 $0x80;
	s19 =	simm.s32 $0xC000  }
0x7: {  	s21 =	simm.s32 $0xE000;
	s23 =	simm.s32 $0x10000;
	s31 =	simm.s32 $0x10  }
0x8: {  	s20 =	simm.s32 $0x0;
	s5 =	smul.u32 $0x5000, s10;
	[smem:$0x7FF] =	sst s3  }
0x9: {  	s6 =	sand.u32 $0x1, s4;
	s7 =	smul.u32 $0x14000, s10;
	s4 =	sadd.s32 $0x21800, s0  }
0xa: {  	s10 =	smul.u32 $0x28000, s10;
	_ =	strace $0x8000004A;
	s8 =	sshll.u32 s6, $0x6  }
0xb: {  	s28 =	smul.u32 $0x50000, s6;
	s6 =	ssub.s32 $0x2, s6;
	s9 =	sshrl.u32 s5, $0x3  }
0xc: {  	s7 =	sor.u32 s8, s7;
	s29 =	sshrl.u32 s6, $0x1;
	s30 =	sshrl.u32 s10, $0x2  }
0xd: {  	s9 =	sadd.s32 s9, s0;
	s7 =	sshrl.u32 s7, $0x3;
	s5 =	sadd.s32 s5, s28  }
.Ltmp0:
0xe: {  	s13 =	ssub.s32 s6, s29;
	s6 =	sadd.s32 s30, s2;
	(pc) =	sbr.rel .LBB2_1-.Ltmp0, $4  }
0xf: {  	s0 =	sadd.s32 s7, s0;
	s5 =	sshrl.u32 s5, $0x3;
	s7 =	sadd.s32 $0x17800, s9  }
0x10: {  	s8 =	sadd.s32 $0x2000, s6;
	s9 =	sadd.s32 $0x4000, s6;
	s10 =	sadd.s32 $0x6000, s6  }
0x11: {  	s11 =	sadd.s32 $0x8000, s6;
	s13 =	smax.u32 s13, $0x1;
	s5 =	sadd.s32 s1, s5  }
0x12: {  	v0 =	vimm.f32 $0.0e+00;
	s12 =	sadd.s32 $0x49800, s0;
	s0 =	simm.s32 $0x8;
	s1 =	simm.s32 $0x3  }
.LBB2_6:
0x13: {  	_ =	swait.ge [sflag:s17], $0x2000  }
0x14: {  	[sflag:s17] =	ssyncset.done $0x0  }
0x15: {  	[sflag:s17] =	ssyncadd.s32 $0xFFFFE000  }
0x16: {  	_ =	swait.ge [sflag:s17], $0x2000  }
0x17: {  	[sflag:s17] =	ssyncset.done $0x0  }
0x18: {  	[sflag:s17] =	ssyncadd.s32 $0xFFFFE000  }
0x19: {  	s22 =	stileid.u32;
	_ =	swait.ge [sflag:s17], $0x2000  }
0x1a: {  	s24 =	sshrl.u32 s6, $0x3;
	s20 =	sadd.s32 $0x1, s20;
	[sflag:s17] =	ssyncset.done $0x0  }
0x1b: {  	s22 =	sshll.u32 s22, $0x6;
	p0 =	sne.s32 s20, s13;
	[sflag:s17] =	ssyncadd.s32 $0xFFFFE000  }
.Ltmp1:
0x1c: {  	s22 =	sor.u32 $0x1C03, s22;
	[bflag:$0x0] =	sbarrier.arrive $0xFFFF;
	(pc) =	sbr.rel @!p0 .LBB2_7-.Ltmp1, $4  }
0x1d: {  	[hbm:s12@s31], [sflag:s22] =	dma.strided [spmem:s24@s0], $0x1400, s16, $0x8   }
0x1e: {  	_ =	swait.ge [sflag:s1], $0x1400  }
0x1f: {  	[sflag:s1] =	ssyncset.done $0x0  }
0x20: {  	[sflag:s1] =	ssyncadd.s32 $0xFFFFEC00  }
.LBB2_1:
0x21: {  	[tilespmem:s3], [sflag:$0x1] =	stream.linear.gather [hbm4b:s5+s3], $0x5000, $0x38;
	[tilespmem:$0x1C000] =	vst v63  }
0x22: {  	s24 =	simm.s32 $0x100;
	s22 =	simm.s32 $0x0  }
0x23: {  	[tilespmem:s14], [sflag:$0x1] =	stream.linear.gather [hbm4b:s7+s3], $0x5000, $0x38;
	[tilespmem:$0x1C000] =	vst v63  }
.LBB2_2:
0x24: {  	p0 =	sne.s32 s24, $0x7F00;
	[tilespmem:s22+$0xA030] =	vst v0;
	s25 =	smov.u32 s24;
	s24 =	sadd.s32 $0x100, s24  }
.Ltmp2:
0x25: {  	[tilespmem:s22+$0xA020] =	vst v0;
	(pc) =	sbr.rel @p0 .LBB2_2-.Ltmp2, $3  }
0x26: {  	[tilespmem:s22+$0xA000] =	vst v0  }
0x27: {  	[tilespmem:s22+$0xA010] =	vst v0;
	_ =	sdelay $0x1  }
0x28: {  	s22 =	sshra.s32 s25, $0x2  }
0x29: {  	[tilespmem:s22+$0xA030] =	vst v0  }
0x2a: {  	[tilespmem:s22+$0xA020] =	vst v0  }
0x2b: {  	[tilespmem:s22+$0xA000] =	vst v0  }
0x2c: {  	[tilespmem:s22+$0xA010] =	vst v0  }
0x2d: {  	[spmem:s6] =	stream.linear.scatter [tilespmem:s15], [sflag:$0x2], $0x2000, $0x38;
	[tilespmem:$0x1C000] =	vst v63  }
0x2e: {  	_ = 	snop  }
0x2f: {  	[spmem:s8] =	stream.linear.scatter [tilespmem:s15], [sflag:$0x2], $0x2000, $0x38;
	[tilespmem:$0x1C000] =	vst v63  }
0x30: {  	_ = 	snop  }
0x31: {  	[spmem:s9] =	stream.linear.scatter [tilespmem:s15], [sflag:$0x2], $0x2000, $0x38;
	[tilespmem:$0x1C000] =	vst v63  }
0x32: {  	_ = 	snop  }
0x33: {  	[spmem:s10] =	stream.linear.scatter [tilespmem:s15], [sflag:$0x2], $0x2000, $0x38;
	[tilespmem:$0x1C000] =	vst v63  }
0x34: {  	_ = 	snop  }
0x35: {  	[spmem:s11] =	stream.linear.scatter [tilespmem:s15], [sflag:$0x2], $0x2000, $0x38;
	[tilespmem:$0x1C000] =	vst v63  }
0x36: {  	_ =	swait.ge [sflag:s16], $0x5000  }
0x37: {  	[sflag:s16] =	ssyncset.done $0x0  }
0x38: {  	[sflag:s16] =	ssyncadd.s32 $0xFFFFB000  }
0x39: {  	_ =	swait.ge [sflag:s16], $0x5000  }
0x3a: {  	[sflag:s16] =	ssyncset.done $0x0  }
0x3b: {  	[sflag:s16] =	ssyncadd.s32 $0xFFFFB000  }
0x3c: {  	_ =	swait.ge [sflag:s17], $0x2000  }
0x3d: {  	[sflag:s17] =	ssyncset.done $0x0  }
0x3e: {  	[sflag:s17] =	ssyncadd.s32 $0xFFFFE000  }
0x3f: {  	_ =	swait.ge [sflag:s17], $0x2000  }
0x40: {  	[sflag:s17] =	ssyncset.done $0x0  }
0x41: {  	[sflag:s17] =	ssyncadd.s32 $0xFFFFE000  }
0x42: {  	_ =	swait.ge [sflag:s17], $0x2000  }
0x43: {  	[sflag:s17] =	ssyncset.done $0x0  }
0x44: {  	[sflag:s17] =	ssyncadd.s32 $0xFFFFE000  }
0x45: {  	_ =	swait.ge [sflag:s17], $0x2000  }
0x46: {  	[sflag:s17] =	ssyncset.done $0x0  }
0x47: {  	[sflag:s17] =	ssyncadd.s32 $0xFFFFE000  }
0x48: {  	_ =	swait.ge [sflag:s17], $0x2000  }
0x49: {  	[sflag:s17] =	ssyncset.done $0x0  }
0x4a: {  	[sflag:s17] =	ssyncadd.s32 $0xFFFFE000  }
0x4b: {  	s22 =	simm.s32 $0x0;
	[bflag:$0x0] =	sbarrier.arrive $0xFFFF  }
0x4c: {  	[tilespmem:s15], [sflag:$0x1] =	stream.indirect.gather [hbm4b:s4+s18], $0x40, s22, s18, $0xb8;
	[tilespmem:$0x1C000] =	vst v63  }
0x4d: {  	_ = 	snop  }
0x4e: {  	[tilespmem:s19], [sflag:$0x1] =	stream.indirect.gather [hbm4b:s4+s18], $0x40, s18, s18, $0xb8;
	[tilespmem:$0x1C000] =	vst v63  }
0x4f: {  	s24 =	simm.s32 $0x100  }
0x50: {  	[tilespmem:s21], [sflag:$0x1] =	stream.indirect.gather [hbm4b:s4+s18], $0x40, s24, s18, $0xb8;
	[tilespmem:$0x1C000] =	vst v63  }
0x51: {  	_ =	swait.ge [sflag:s16], $0x2000  }
0x52: {  	[sflag:s16] =	ssyncset.done $0x0  }
0x53: {  	[sflag:s16] =	ssyncadd.s32 $0xFFFFE000  }
0x54: {  	[spmem:s2] =	stream.indirect.scatter.add.f32 [tilespmem:s15], [sflag:$0x2], $0x40, s14, s18, $0xb8;
	[tilespmem:$0x1C000] =	vst v63  }
0x55: {  	s29 =	simm.s32 $0x180  }
0x56: {  	[tilespmem:s23], [sflag:$0x1] =	stream.indirect.gather [hbm4b:s4+s18], $0x40, s29, s18, $0xb8;
	[tilespmem:$0x1C000] =	vst v63  }
0x57: {  	_ =	swait.ge [sflag:s16], $0x2000  }
0x58: {  	[sflag:s16] =	ssyncset.done $0x0  }
0x59: {  	s30 =	simm.s32 $0x5080;
	[sflag:s16] =	ssyncadd.s32 $0xFFFFE000  }
0x5a: {  	[spmem:s2] =	stream.indirect.scatter.add.f32 [tilespmem:s19], [sflag:$0x2], $0x40, s30, s18, $0xb8;
	[tilespmem:$0x1C000] =	vst v63  }
0x5b: {  	_ =	swait.ge [sflag:s17], $0x2000  }
0x5c: {  	[sflag:s17] =	ssyncset.done $0x0  }
0x5d: {  	s25 =	simm.s32 $0x200;
	[sflag:s17] =	ssyncadd.s32 $0xFFFFE000  }
0x5e: {  	[tilespmem:s15], [sflag:$0x1] =	stream.indirect.gather [hbm4b:s4+s18], $0x40, s25, s18, $0xb8;
	[tilespmem:$0x1C000] =	vst v63  }
0x5f: {  	_ =	swait.ge [sflag:s16], $0x2000  }
0x60: {  	[sflag:s16] =	ssyncset.done $0x0  }
0x61: {  	s26 =	simm.s32 $0x5100;
	[sflag:s16] =	ssyncadd.s32 $0xFFFFE000  }
0x62: {  	[spmem:s2] =	stream.indirect.scatter.add.f32 [tilespmem:s21], [sflag:$0x2], $0x40, s26, s18, $0xb8;
	[tilespmem:$0x1C000] =	vst v63  }
0x63: {  	_ =	swait.ge [sflag:s17], $0x2000  }
0x64: {  	[sflag:s17] =	ssyncset.done $0x0  }
0x65: {  	s28 =	simm.s32 $0x280;
	[sflag:s17] =	ssyncadd.s32 $0xFFFFE000  }
0x66: {  	[tilespmem:s19], [sflag:$0x1] =	stream.indirect.gather [hbm4b:s4+s18], $0x40, s28, s18, $0xb8;
	[tilespmem:$0x1C000] =	vst v63  }
0x67: {  	_ =	swait.ge [sflag:s16], $0x2000  }
0x68: {  	[sflag:s16] =	ssyncset.done $0x0  }
0x69: {  	s29 =	simm.s32 $0x5180;
	[sflag:s16] =	ssyncadd.s32 $0xFFFFE000  }
0x6a: {  	[spmem:s2] =	stream.indirect.scatter.add.f32 [tilespmem:s23], [sflag:$0x2], $0x40, s29, s18, $0xb8;
	[tilespmem:$0x1C000] =	vst v63  }
0x6b: {  	_ =	swait.ge [sflag:s17], $0x2000  }
0x6c: {  	[sflag:s17] =	ssyncset.done $0x0  }
0x6d: {  	s30 =	simm.s32 $0x300;
	[sflag:s17] =	ssyncadd.s32 $0xFFFFE000  }
0x6e: {  	[tilespmem:s21], [sflag:$0x1] =	stream.indirect.gather [hbm4b:s4+s18], $0x40, s30, s18, $0xb8;
	[tilespmem:$0x1C000] =	vst v63  }
.LBB2_4:
0x6f: {  	_ =	swait.ge [sflag:s16], $0x2000  }
0x70: {  	s24 =	sshra.s32 s22, $0x2;
	[sflag:s16] =	ssyncset.done $0x0  }
0x71: {  	s25 =	sadd.s32 $0x5200, s24;
	[sflag:s16] =	ssyncadd.s32 $0xFFFFE000  }
0x72: {  	[spmem:s2] =	stream.indirect.scatter.add.f32 [tilespmem:s15], [sflag:$0x2], $0x40, s25, s18, $0xb8;
	[tilespmem:$0x1C000] =	vst v63  }
0x73: {  	_ =	swait.ge [sflag:s17], $0x2000  }
0x74: {  	[sflag:s17] =	ssyncset.done $0x0  }
0x75: {  	s28 =	sadd.s32 $0x380, s24;
	[sflag:s17] =	ssyncadd.s32 $0xFFFFE000  }
0x76: {  	[tilespmem:s23], [sflag:$0x1] =	stream.indirect.gather [hbm4b:s4+s18], $0x40, s28, s18, $0xb8;
	[tilespmem:$0x1C000] =	vst v63  }
0x77: {  	_ =	swait.ge [sflag:s16], $0x2000  }
0x78: {  	p0 =	seq.s32 s22, $0x13000;
	[sflag:s16] =	ssyncset.done $0x0  }
0x79: {  	s29 =	sadd.s32 $0x5280, s24;
	s25 =	simm.s32 @p0 $0x1;
	[sflag:s16] =	ssyncadd.s32 $0xFFFFE000  }
0x7a: {  	[spmem:s2] =	stream.indirect.scatter.add.f32 [tilespmem:s19], [sflag:$0x2], $0x40, s29, s18, $0xb8;
	[tilespmem:$0x1C000] =	vst v63  }
0x7b: {  	_ =	swait.ge @p0 [sflag:s25], $0x2000  }
0x7c: {  	[sflag:s25] =	ssyncset.done @p0 $0x0  }
0x7d: {  	[sflag:s25] =	ssyncadd.s32 @p0 $0xFFFFE000;
	s25 =	sshra.s32 @p0 s22, $0x2  }
0x7e: {  	s26 =	simm.s32 @p0 $0x80;
	s28 =	simm.s32 @p0 $0xE000;
	s25 =	sadd.s32 @p0 $0x5300, s25  }
0x7f: {  	[spmem:s2] =	stream.indirect.scatter.add.f32 @p0 [tilespmem:s28], [sflag:$0x2], $0x40, s25, s26, $0xb8;
	[tilespmem:$0x1C000] =	vst v63  }
0x80: {  	s25 =	simm.s32 @!p0 $0x2  }
0x81: {  	_ =	swait.ge @!p0 [sflag:s25], $0x2000  }
0x82: {  	s30 =	simm.s32 @!p0 $0xA000;
	s26 =	sshra.s32 @!p0 s22, $0x2;
	[sflag:s25] =	ssyncset.done @!p0 $0x0  }
0x83: {  	s29 =	simm.s32 @!p0 $0x80;
	s28 =	sadd.s32 @!p0 $0x400, s26;
	[sflag:s25] =	ssyncadd.s32 @!p0 $0xFFFFE000  }
0x84: {  	[tilespmem:s30], [sflag:$0x1] =	stream.indirect.gather @!p0 [hbm4b:s4+s29], $0x40, s28, s29, $0xb8;
	[tilespmem:$0x1C000] =	vst v63  }
0x85: {  	s28 =	simm.s32 @!p0 $0x1  }
0x86: {  	_ =	swait.ge @!p0 [sflag:s28], $0x2000  }
0x87: {  	[sflag:s28] =	ssyncset.done @!p0 $0x0  }
0x88: {  	s30 =	simm.s32 @!p0 $0xE000;
	[sflag:s28] =	ssyncadd.s32 @!p0 $0xFFFFE000;
	s28 =	sadd.s32 @!p0 $0x5300, s26  }
0x89: {  	[spmem:s2] =	stream.indirect.scatter.add.f32 @!p0 [tilespmem:s30], [sflag:$0x2], $0x40, s28, s29, $0xb8;
	[tilespmem:$0x1C000] =	vst v63  }
0x8a: {  	_ =	swait.ge @!p0 [sflag:s25], $0x2000  }
0x8b: {  	[sflag:s25] =	ssyncset.done @!p0 $0x0  }
0x8c: {  	[sflag:s25] =	ssyncadd.s32 @!p0 $0xFFFFE000;
	s25 =	sadd.s32 @!p0 $0x480, s26;
	s26 =	simm.s32 @!p0 $0xC000  }
0x8d: {  	[tilespmem:s26], [sflag:$0x1] =	stream.indirect.gather @!p0 [hbm4b:s4+s29], $0x40, s25, s29, $0xb8;
	[tilespmem:$0x1C000] =	vst v63  }
0x8e: {  	_ =	swait.ge [sflag:s16], $0x2000  }
0x8f: {  	[sflag:s16] =	ssyncset.done $0x0  }
.Ltmp3:
0x90: {  	s30 =	sadd.s32 $0x5380, s24;
	[sflag:s16] =	ssyncadd.s32 $0xFFFFE000;
	(pc) =	sbr.rel @p0 .LBB2_6-.Ltmp3, $4  }
0x91: {  	[spmem:s2] =	stream.indirect.scatter.add.f32 [tilespmem:s23], [sflag:$0x2], $0x40, s30, s18, $0xb8;
	[tilespmem:$0x1C000] =	vst v63  }
0x92: {  	_ =	swait.ge [sflag:s17], $0x2000  }
0x93: {  	[sflag:s17] =	ssyncset.done $0x0  }
0x94: {  	[sflag:s17] =	ssyncadd.s32 $0xFFFFE000  }
.Ltmp4:
0x95: {  	(pc) =	sbr.rel .LBB2_4-.Ltmp4, $3  }
0x96: {  	_ =	sdelay $0x1  }
0x97: {  	s24 =	sadd.s32 $0x500, s24;
	s22 =	sadd.s32 $0x800, s22  }
0x98: {  	[tilespmem:s21], [sflag:$0x1] =	stream.indirect.gather [hbm4b:s4+s18], $0x40, s24, s18, $0xb8;
	[tilespmem:$0x1C000] =	vst v63  }
.LBB2_7:
0x99: {  	_ =	sfence.sel $0x180000  }
0x9a: {  	[bflag:$0x0] =	sbarrier.arrive $0xFFFF  }
0x9b: {  	_ =	strace $0x9000004A  }
0x9c: {  	s0 =	stileid.u32;
	[bflag:$0x2] =	sbarrier.arrive $0xFFFF  }
0x9d: {  	p0 =	sne.s32 s0, $0x0;
	s0 =	rddreg [dreg:$0x3]  }
0x9e: {  	s0 =	sadd.s32 @!p0 $0x100000, s0  }
0x9f: {  	[sflag:s0] =	ssyncadd.tile.s32 @!p0 $0x1;
	_ =	shalt  }
.Lfunc_end2:
_tile_overlayer_lowered:
.L_overlay_start_2:
0xa0: {  	(tag) =	ssettag $0x2  }
0xa1: {  	s0 =	rddreg [dreg:$0x0];
	s2 =	stileid.u32  }
0xa2: {  	s1 =	rddreg [dreg:$0x1];
	p0 =	sne.s32 s2, $0x0  }
0xa3: {  	s3 =	rddreg [dreg:$0x2];
	[bflag:$0x3] =	sbarrier.arrive $0xFFFF;
	s2 =	simm.s32 @!p0 $0x1C03  }
0xa4: {  	[timem:s3], [sflag:s2] =	dma.local @!p0 [hbm:s0], s1  }
0xa5: {  	s0 =	simm.s32 @!p0 $0x3  }
0xa6: {  	_ =	swait.ge @!p0 [sflag:s0], s1  }
0xa7: {  	s1 =	ssub.s32 @!p0 $0x0, s1;
	[sflag:s0] =	ssyncset.done @!p0 $0x0  }
0xa8: {  	[sflag:s0] =	ssyncadd.s32 @!p0 s1  }
0xa9: {  	[bflag:$0x3] =	sbarrier.arrive $0xFFFF  }
0xaa: {  	_ =	shalt  }

// kernel: kernel.14.cloned.1.call-start
scs
__scs_entry_jumppad:
0x0: {  	(pc) =	sbr.rel $0x88, $3  }
0x1: {  	(tag) =	ssettag $0x0;
	lr =	simm.s32 $0x1  }
0x2: {  	[smem:$0x3F9B] =	sst lr;
	_ =	strace $0xD0000000  }
0x3: {  	_ = 	snop  }
0x4: {  	_ = 	snop  }
0x5: {  	_ = 	snop  }
0x6: {  	_ = 	snop  }
0x7: {  	_ = 	snop  }
__scs_overlays_trampoline_lowered:
0x8: {  	[smem:$0x3FAA] =	sst s0  }
0x9: {  	[smem:$0x3FAB] =	sst s1  }
0xa: {  	[smem:$0x3FAC] =	sst s2  }
0xb: {  	[smem:$0x3FAD] =	sst s3  }
0xc: {  	[smem:$0x3FAE] =	sst s4  }
0xd: {  	[smem:$0x3FAF] =	sst s5  }
0xe: {  	[smem:$0x3FB0] =	sst s6  }
0xf: {  	[smem:$0x3FB1] =	sst s7  }
0x10: {  	[smem:$0x3FB2] =	sst s8  }
0x11: {  	[smem:$0x3FB3] =	sst s9;
	s0 =	simm.s32 @!p0 $0x0  }
0x12: {  	s1 =	sld [smem:$0x3F99];
	s0 =	simm.s32 @p0 $0x1  }
0x13: {  	[smem:$0x3FB4] =	sst s0;
	s0 =	simm.s32 @!p1 $0x0  }
0x14: {  	s2 =	sld [smem:$0x3F98];
	s0 =	simm.s32 @p1 $0x1  }
0x15: {  	[smem:$0x3FB5] =	sst s0;
	s0 =	simm.s32 @!p2 $0x0  }
0x16: {  	s3 =	sld [smem:$0x3FDB];
	s0 =	simm.s32 @p2 $0x1  }
0x17: {  	s4 =	simm.s32 $0x1BF5;
	[smem:$0x3FB7] =	sst s0  }
0x18: {  	s0 =	sld [smem:$0x3F9A];
	_ =	swait.ge [sflag:s4], $0x0  }
0x19: {  	s7 =	sld [smem:$0x3F9B]  }
0x1a: {  	s8 =	sadd.s32 $0xFFFFE003, lr  }
0x1b: {  	s9 =	sadd.s32 $0xFFFFFEF7, lr;
	s5 =	simm.s32 $0xFFFFFFFF;
	p2 =	slt.u32 s8, $0xFFFFF086  }
0x1c: {  	p1 =	slt.u32 s9, $0xF7A;
	s5 =	simm.s32 @!p2 $0x0  }
0x1d: {  	s5 =	simm.s32 @p1 $0x1;
	p0 =	seq.s32 s7, s2  }
0x1e: {  	s7 =	smul.u32 @!p0 $0xF7A, s2;
	p2 =	seq.s32 @!p0 s5, $0x0  }
0x1f: {  	s9 =	smul.u32 $0xF7A, s1;
	s8 =	simm.s32 @!p0 $0x1BF5;
	p2 =	por !p2, p0  }
0x20: {  	[sflag:s8] =	ssyncset.s32 @!p0 $0xFFFFF086;
	s6 =	sadd.s32 @!p0 s3, s7;
	s7 =	simm.s32 @!p0 $0x108  }
0x21: {  	s3 =	sadd.s32 s3, s9;
	s6 =	sadd.s32 @!p0 $0x88, s6;
	s7 =	simm.s32 @p2 $0x1082  }
0x22: {  	[simem:s7], [sflag:s8] =	dma.local @!p0 [hbm:s6], $0xF7A  }
0x23: {  	s9 =	sor.u32 $0xD0000000, s2;
	s6 =	simm.s32 $0x108;
	_ =	swait.ge @!p0 [sflag:s8], $0x0  }
0x24: {  	s3 =	sadd.s32 $0x88, s3;
	s6 =	simm.s32 @!p1 $0x1082;
	[sflag:s4] =	ssyncset.s32 $0xFFFFF086  }
0x25: {  	[simem:s6], [sflag:s4] =	dma.local [hbm:s3], $0xF7A  }
0x26: {  	[smem:$0x3F9B] =	sst s1;
	(tag) =	ssettag s2;
	_ =	strace s9  }
0x27: {  	s1 =	sld [smem:$0x3FAB]  }
0x28: {  	s2 =	sld [smem:$0x3FAC]  }
0x29: {  	s4 =	sld [smem:$0x3FAE]  }
0x2a: {  	p0 =	seq.s32 s5, $0x0;
	s5 =	sld [smem:$0x3FAF]  }
0x2b: {  	s6 =	sld [smem:$0x3FB0]  }
0x2c: {  	s7 =	sld [smem:$0x3FB1]  }
0x2d: {  	s3 =	simm.s32 $0x108;
	s8 =	sld [smem:$0x3FB2]  }
0x2e: {  	s3 =	simm.s32 @!p0 $0x1082;
	s9 =	sld [smem:$0x3FB3]  }
0x2f: {  	lr =	sadd.s32 s0, s3;
	s0 =	sld [smem:$0x3FAA]  }
0x30: {  	s3 =	sld [smem:$0x3FAD]  }
0x31: {  	[smem:$0x3FB6] =	sst s10  }
0x32: {  	s10 =	sld [smem:$0x3FB4];
	_ =	sdelay $0x3  }
0x33: {  	p0 =	seq.s32 s10, $0x1;
	s10 =	sld [smem:$0x3FB6];
	_ =	sdelay $0x3  }
0x34: {  	[smem:$0x3FB6] =	sst s10  }
0x35: {  	s10 =	sld [smem:$0x3FB5];
	_ =	sdelay $0x3  }
0x36: {  	p1 =	seq.s32 s10, $0x1;
	s10 =	sld [smem:$0x3FB6];
	_ =	sdelay $0x3  }
0x37: {  	[smem:$0x3FB6] =	sst s10  }
0x38: {  	s10 =	sld [smem:$0x3FB7]  }
0x39: {  	_ = 	snop;
	(pc) =	sbr.ind lr, $3  }
0x3a: {  	_ = 	snop  }
0x3b: {  	_ = 	snop  }
0x3c: {  	p2 =	seq.s32 s10, $0x1;
	s10 =	sld [smem:$0x3FB6]  }
0x3d: {  	_ =	shalt  }
0x3e: {  	_ =	shalt  }
0x3f: {  	_ =	shalt  }
0x40: {  	_ =	shalt  }
0x41: {  	_ =	shalt  }
0x42: {  	_ =	shalt  }
0x43: {  	_ =	shalt  }
0x44: {  	_ =	shalt  }
0x45: {  	_ =	shalt  }
0x46: {  	_ =	shalt  }
0x47: {  	_ =	shalt  }
0x48: {  	_ =	shalt  }
0x49: {  	_ =	shalt  }
0x4a: {  	_ =	shalt  }
0x4b: {  	_ =	shalt  }
0x4c: {  	_ =	shalt  }
0x4d: {  	_ =	shalt  }
0x4e: {  	_ =	shalt  }
0x4f: {  	_ =	shalt  }
0x50: {  	_ =	shalt  }
0x51: {  	_ =	shalt  }
0x52: {  	_ =	shalt  }
0x53: {  	_ =	shalt  }
0x54: {  	_ =	shalt  }
0x55: {  	_ =	shalt  }
0x56: {  	_ =	shalt  }
0x57: {  	_ =	shalt  }
0x58: {  	_ =	shalt  }
0x59: {  	_ =	shalt  }
0x5a: {  	_ =	shalt  }
0x5b: {  	_ =	shalt  }
0x5c: {  	_ =	shalt  }
0x5d: {  	_ =	shalt  }
0x5e: {  	_ =	shalt  }
0x5f: {  	_ =	shalt  }
0x60: {  	_ =	shalt  }
0x61: {  	_ =	shalt  }
0x62: {  	_ =	shalt  }
0x63: {  	_ =	shalt  }
0x64: {  	_ =	shalt  }
0x65: {  	_ =	shalt  }
0x66: {  	_ =	shalt  }
0x67: {  	_ =	shalt  }
0x68: {  	_ =	shalt  }
0x69: {  	_ =	shalt  }
0x6a: {  	_ =	shalt  }
0x6b: {  	_ =	shalt  }
0x6c: {  	_ =	shalt  }
0x6d: {  	_ =	shalt  }
0x6e: {  	_ =	shalt  }
0x6f: {  	_ =	shalt  }
0x70: {  	_ =	shalt  }
0x71: {  	_ =	shalt  }
0x72: {  	_ =	shalt  }
0x73: {  	_ =	shalt  }
0x74: {  	_ =	shalt  }
0x75: {  	_ =	shalt  }
0x76: {  	_ =	shalt  }
0x77: {  	_ =	shalt  }
0x78: {  	_ =	shalt  }
0x79: {  	_ =	shalt  }
0x7a: {  	_ =	shalt  }
0x7b: {  	_ =	shalt  }
0x7c: {  	_ =	shalt  }
0x7d: {  	_ =	shalt  }
0x7e: {  	_ =	shalt  }
0x7f: {  	_ =	shalt  }
0x80: {  	_ =	shalt  }
0x81: {  	_ =	shalt  }
0x82: {  	_ =	shalt  }
0x83: {  	_ =	shalt  }
0x84: {  	_ =	shalt  }
0x85: {  	_ =	shalt  }
0x86: {  	_ =	shalt  }
0x87: {  	_ =	shalt  }
.Lfunc_end0:
.L_simem_size_0:
called_computation.2_lowered:
.L_overlay_start_0:
0x88: {  	s2 =	sld [smem:$0x3FD9]  }
0x89: {  	s3 =	sld [smem:$0x3FFE];
	_ =	sdelay $0x1  }
0x8a: {  	s1 =	srdreg.scid  }
0x8b: {  	s0 =	sand.u32 $0x1, s1  }
0x8c: {  	s17 =	sshll.u32 s0, $0xA;
	s2 =	sadd.s32 s3, s2  }
0x8d: {  	s2 =	sadd.s32 s2, s17  }
0x8e: {  	[smem:$0x3FC2] =	sst s2  }
0x8f: {  	_ = 	snop  }
0x90: {  	s2 =	sld [smem:$0x3FD0];
	(tm) =	ssettm $0x1  }
0x91: {  	s18 =	sld [smem:$0x3FFB];
	_ =	sdelay $0x3  }
0x92: {  	_ =	strace s18  }
0x93: {  	s3 =	sld [smem:$0x3FFC];
	_ =	sdelay $0x3  }
0x94: {  	_ =	strace s3  }
0x95: {  	s3 =	sld [smem:$0x3FFD];
	_ =	sdelay $0x3  }
0x96: {  	_ =	strace s3  }
0x97: {  	_ =	strace $0x8FFFFFFF  }
0x98: {  	s19 =	sld [smem:$0x3FDB];
	_ =	sdelay $0x1  }
0x99: {  	s4 =	simm.s32 $_scs_section_size  }
0x9a: {  	s5 =	simm.s32 $_size__tile_overlayer_lowered;
	s6 =	simm.s32 $_tile_overlayer_lowered  }
0x9b: {  	s22 =	simm.s32 $0x1BFF;
	s21 =	sshll.u32 s6, $0x1;
	s3 =	sadd.s32 s4, s19  }
0x9c: {  	s7 =	simm.s32 $0x0;
	s20 =	sshll.u32 s5, $0x1;
	s5 =	sadd.s32 s21, s3  }
0x9d: {  	[timem:s7], [sflag:s22] =	dma.local [hbm:s5], s20  }
0x9e: {  	_ =	swait.ge [sflag:s22], s20  }
0x9f: {  	s4 =	ssub.s32 $0x0, s20;
	[sflag:s22] =	ssyncset.done $0x0  }
0xa0: {  	[sflag:s22] =	ssyncadd.s32 s4;
	_ =	sdelay $0x1  }
0xa1: {  	s23 =	simm.s32 $0x1B8B  }
0xa2: {  	_ =	swait.ge [sflag:s23], $0x1  }
0xa3: {  	[sflag:s23] =	ssyncset.done $0x0  }
0xa4: {  	s25 =	simm.s32 $0x1B8E;
	s24 =	sld [smem:$0x3FFE];
	[sflag:s23] =	ssyncadd.s32 $0xFFFFFFFF  }
0xa5: {  	s26 =	simm.s32 $execute0_lowered;
	[smem:$0x3FD2] =	sst s25  }
0xa6: {  	s5 =	sshll.u32 s26, $0x1;
	_ =	strace $0x8000004C;
	[dreg:$0x1] =	wrdreg $0xFFFFFFFF  }
0xa7: {  	s28 =	simm.s32 $_size_execute0_lowered;
	s3 =	sadd.s32 s3, s5;
	[dreg:$0x0] =	wrdreg $0x0  }
0xa8: {  	s5 =	sshll.u32 s28, $0x1;
	[dreg:$0x2] =	wrdreg s3  }
0xa9: {  	[dreg:$0x3] =	wrdreg s5  }
0xaa: {  	[dreg:$0x4] =	wrdreg $0xC0  }
0xab: {  	_ =	task [dreg:s7], $0x5FFFF  }
0xac: {  	[dreg:$0x1] =	wrdreg $0xFFFFFFFF  }
0xad: {  	[dreg:$0x0] =	wrdreg $0x60  }
0xae: {  	[dreg:$0x2] =	wrdreg s24  }
0xaf: {  	[dreg:$0x3] =	wrdreg s2  }
0xb0: {  	[dreg:$0x4] =	wrdreg $0x120000  }
0xb1: {  	[dreg:$0x5] =	wrdreg $0x9  }
0xb2: {  	_ =	task.clear_ibuf [dreg:s7], $0x6FFFF;
	_ =	strace $0x9000004C  }
0xb3: {  	s29 =	simm.s32 $0x9;
	_ =	strace $0x8000004E  }
0xb4: {  	_ =	swait.ge [sflag:s29], $0x1  }
0xb5: {  	[sflag:s29] =	ssyncadd.s32 $0xFFFFFFFF  }
0xb6: {  	_ =	strace $0x9000004E  }
0xb7: {  	_ =	sfence  }
0xb8: {  	s30 =	sld [smem:$0x0];
	_ =	sdelay $0x2  }
0xb9: {  	s31 =	sshll.u32 s1, $0xD;
	s1 =	sshrl.u32 s1, $0x2  }
0xba: {  	s3 =	sand.u32 $0x4000, s31;
	s1 =	sadd.s32 s1, s30  }
0xbb: {  	s0 =	sor.u32 s3, s0;
	s1 =	sshll.u32 s1, $0x11  }
0xbc: {  	s0 =	sor.u32 s1, s0  }
0xbd: {  	s0 =	sadd.s32 $0x8F2B, s0  }
0xbe: {  	[sflag:s0] =	ssyncadd.remote.s32 $0x1  }
0xbf: {  	_ =	sfence.sel $0xFFFF  }
0xc0: {  	[dreg:$0x0] =	wrdreg $0xFFFFFFFF;
	(pc) =	sbr.abs _section_cstart, $3  }
0xc1: {  	[dreg:$0x1] =	wrdreg $0xFFFFFFFF  }
0xc2: {  	_ =	task.clear_ibuf [dreg:s7], $0x2FFFF;
	_ =	strace $0x9FFFFFFF  }
0xc3: {  	(tm) =	ssettm $0x7FFFFFFF  }
tec
execute0_lowered:
.L_overlay_start_1:
0x0: {  	(tag) =	ssettag $0x1  }
0x1: {  	s0 =	rddreg [dreg:$0x0]  }
0x2: {  	s1 =	rddreg [dreg:$0x1]  }
0x3: {  	s2 =	rddreg [dreg:$0x2]  }
0x4: {  	s10 =	stileid.u32;
	s3 =	simm.s32 $0x0;
	s4 =	srdreg.scid  }
0x5: {  	s14 =	simm.s32 $0x5000;
	s15 =	simm.s32 $0xA000;
	s16 =	simm.s32 $0x1  }
0x6: {  	s17 =	simm.s32 $0x2;
	s18 =	simm.s32 $0x80;
	s19 =	simm.s32 $0xC000  }
0x7: {  	s21 =	simm.s32 $0xE000;
	s23 =	simm.s32 $0x10000;
	s31 =	simm.s32 $0x10  }
0x8: {  	s20 =	simm.s32 $0x0;
	s5 =	smul.u32 $0x5000, s10;
	[smem:$0x7FF] =	sst s3  }
0x9: {  	s6 =	sand.u32 $0x1, s4;
	s7 =	smul.u32 $0x14000, s10;
	s4 =	sadd.s32 $0x21800, s0  }
0xa: {  	s10 =	smul.u32 $0x28000, s10;
	_ =	strace $0x8000004D;
	s8 =	sshll.u32 s6, $0x6  }
0xb: {  	s28 =	smul.u32 $0x50000, s6;
	s6 =	ssub.s32 $0x2, s6;
	s9 =	sshrl.u32 s5, $0x3  }
0xc: {  	s7 =	sor.u32 s8, s7;
	s29 =	sshrl.u32 s6, $0x1;
	s30 =	sshrl.u32 s10, $0x2  }
0xd: {  	s9 =	sadd.s32 s9, s0;
	s7 =	sshrl.u32 s7, $0x3;
	s5 =	sadd.s32 s5, s28  }
.Ltmp0:
0xe: {  	s13 =	ssub.s32 s6, s29;
	s6 =	sadd.s32 s30, s2;
	(pc) =	sbr.rel .LBB2_1-.Ltmp0, $4  }
0xf: {  	s0 =	sadd.s32 s7, s0;
	s5 =	sshrl.u32 s5, $0x3;
	s7 =	sadd.s32 $0x17800, s9  }
0x10: {  	s8 =	sadd.s32 $0x2000, s6;
	s9 =	sadd.s32 $0x4000, s6;
	s10 =	sadd.s32 $0x6000, s6  }
0x11: {  	s11 =	sadd.s32 $0x8000, s6;
	s13 =	smax.u32 s13, $0x1;
	s5 =	sadd.s32 s1, s5  }
0x12: {  	v0 =	vimm.f32 $0.0e+00;
	s12 =	sadd.s32 $0x49800, s0;
	s0 =	simm.s32 $0x8;
	s1 =	simm.s32 $0x3  }
.LBB2_6:
0x13: {  	_ =	swait.ge [sflag:s17], $0x2000  }
0x14: {  	[sflag:s17] =	ssyncset.done $0x0  }
0x15: {  	[sflag:s17] =	ssyncadd.s32 $0xFFFFE000  }
0x16: {  	_ =	swait.ge [sflag:s17], $0x2000  }
0x17: {  	[sflag:s17] =	ssyncset.done $0x0  }
0x18: {  	[sflag:s17] =	ssyncadd.s32 $0xFFFFE000  }
0x19: {  	s22 =	stileid.u32;
	_ =	swait.ge [sflag:s17], $0x2000  }
0x1a: {  	s24 =	sshrl.u32 s6, $0x3;
	s20 =	sadd.s32 $0x1, s20;
	[sflag:s17] =	ssyncset.done $0x0  }
0x1b: {  	s22 =	sshll.u32 s22, $0x6;
	p0 =	sne.s32 s20, s13;
	[sflag:s17] =	ssyncadd.s32 $0xFFFFE000  }
.Ltmp1:
0x1c: {  	s22 =	sor.u32 $0x1C03, s22;
	[bflag:$0x0] =	sbarrier.arrive $0xFFFF;
	(pc) =	sbr.rel @!p0 .LBB2_7-.Ltmp1, $4  }
0x1d: {  	[hbm:s12@s31], [sflag:s22] =	dma.strided [spmem:s24@s0], $0x1400, s16, $0x8   }
0x1e: {  	_ =	swait.ge [sflag:s1], $0x1400  }
0x1f: {  	[sflag:s1] =	ssyncset.done $0x0  }
0x20: {  	[sflag:s1] =	ssyncadd.s32 $0xFFFFEC00  }
.LBB2_1:
0x21: {  	[tilespmem:s3], [sflag:$0x1] =	stream.linear.gather [hbm4b:s5+s3], $0x5000, $0x38;
	[tilespmem:$0x1C000] =	vst v63  }
0x22: {  	s24 =	simm.s32 $0x100;
	s22 =	simm.s32 $0x0  }
0x23: {  	[tilespmem:s14], [sflag:$0x1] =	stream.linear.gather [hbm4b:s7+s3], $0x5000, $0x38;
	[tilespmem:$0x1C000] =	vst v63  }
.LBB2_2:
0x24: {  	p0 =	sne.s32 s24, $0x7F00;
	[tilespmem:s22+$0xA030] =	vst v0;
	s25 =	smov.u32 s24;
	s24 =	sadd.s32 $0x100, s24  }
.Ltmp2:
0x25: {  	[tilespmem:s22+$0xA020] =	vst v0;
	(pc) =	sbr.rel @p0 .LBB2_2-.Ltmp2, $3  }
0x26: {  	[tilespmem:s22+$0xA000] =	vst v0  }
0x27: {  	[tilespmem:s22+$0xA010] =	vst v0;
	_ =	sdelay $0x1  }
0x28: {  	s22 =	sshra.s32 s25, $0x2  }
0x29: {  	[tilespmem:s22+$0xA030] =	vst v0  }
0x2a: {  	[tilespmem:s22+$0xA020] =	vst v0  }
0x2b: {  	[tilespmem:s22+$0xA000] =	vst v0  }
0x2c: {  	[tilespmem:s22+$0xA010] =	vst v0  }
0x2d: {  	[spmem:s6] =	stream.linear.scatter [tilespmem:s15], [sflag:$0x2], $0x2000, $0x38;
	[tilespmem:$0x1C000] =	vst v63  }
0x2e: {  	_ = 	snop  }
0x2f: {  	[spmem:s8] =	stream.linear.scatter [tilespmem:s15], [sflag:$0x2], $0x2000, $0x38;
	[tilespmem:$0x1C000] =	vst v63  }
0x30: {  	_ = 	snop  }
0x31: {  	[spmem:s9] =	stream.linear.scatter [tilespmem:s15], [sflag:$0x2], $0x2000, $0x38;
	[tilespmem:$0x1C000] =	vst v63  }
0x32: {  	_ = 	snop  }
0x33: {  	[spmem:s10] =	stream.linear.scatter [tilespmem:s15], [sflag:$0x2], $0x2000, $0x38;
	[tilespmem:$0x1C000] =	vst v63  }
0x34: {  	_ = 	snop  }
0x35: {  	[spmem:s11] =	stream.linear.scatter [tilespmem:s15], [sflag:$0x2], $0x2000, $0x38;
	[tilespmem:$0x1C000] =	vst v63  }
0x36: {  	_ =	swait.ge [sflag:s16], $0x5000  }
0x37: {  	[sflag:s16] =	ssyncset.done $0x0  }
0x38: {  	[sflag:s16] =	ssyncadd.s32 $0xFFFFB000  }
0x39: {  	_ =	swait.ge [sflag:s16], $0x5000  }
0x3a: {  	[sflag:s16] =	ssyncset.done $0x0  }
0x3b: {  	[sflag:s16] =	ssyncadd.s32 $0xFFFFB000  }
0x3c: {  	_ =	swait.ge [sflag:s17], $0x2000  }
0x3d: {  	[sflag:s17] =	ssyncset.done $0x0  }
0x3e: {  	[sflag:s17] =	ssyncadd.s32 $0xFFFFE000  }
0x3f: {  	_ =	swait.ge [sflag:s17], $0x2000  }
0x40: {  	[sflag:s17] =	ssyncset.done $0x0  }
0x41: {  	[sflag:s17] =	ssyncadd.s32 $0xFFFFE000  }
0x42: {  	_ =	swait.ge [sflag:s17], $0x2000  }
0x43: {  	[sflag:s17] =	ssyncset.done $0x0  }
0x44: {  	[sflag:s17] =	ssyncadd.s32 $0xFFFFE000  }
0x45: {  	_ =	swait.ge [sflag:s17], $0x2000  }
0x46: {  	[sflag:s17] =	ssyncset.done $0x0  }
0x47: {  	[sflag:s17] =	ssyncadd.s32 $0xFFFFE000  }
0x48: {  	_ =	swait.ge [sflag:s17], $0x2000  }
0x49: {  	[sflag:s17] =	ssyncset.done $0x0  }
0x4a: {  	[sflag:s17] =	ssyncadd.s32 $0xFFFFE000  }
0x4b: {  	s22 =	simm.s32 $0x0;
	[bflag:$0x0] =	sbarrier.arrive $0xFFFF  }
0x4c: {  	[tilespmem:s15], [sflag:$0x1] =	stream.indirect.gather [hbm4b:s4+s18], $0x40, s22, s18, $0xb8;
	[tilespmem:$0x1C000] =	vst v63  }
0x4d: {  	_ = 	snop  }
0x4e: {  	[tilespmem:s19], [sflag:$0x1] =	stream.indirect.gather [hbm4b:s4+s18], $0x40, s18, s18, $0xb8;
	[tilespmem:$0x1C000] =	vst v63  }
0x4f: {  	s24 =	simm.s32 $0x100  }
0x50: {  	[tilespmem:s21], [sflag:$0x1] =	stream.indirect.gather [hbm4b:s4+s18], $0x40, s24, s18, $0xb8;
	[tilespmem:$0x1C000] =	vst v63  }
0x51: {  	_ =	swait.ge [sflag:s16], $0x2000  }
0x52: {  	[sflag:s16] =	ssyncset.done $0x0  }
0x53: {  	[sflag:s16] =	ssyncadd.s32 $0xFFFFE000  }
0x54: {  	[spmem:s2] =	stream.indirect.scatter.add.f32 [tilespmem:s15], [sflag:$0x2], $0x40, s14, s18, $0xb8;
	[tilespmem:$0x1C000] =	vst v63  }
0x55: {  	s29 =	simm.s32 $0x180  }
0x56: {  	[tilespmem:s23], [sflag:$0x1] =	stream.indirect.gather [hbm4b:s4+s18], $0x40, s29, s18, $0xb8;
	[tilespmem:$0x1C000] =	vst v63  }
0x57: {  	_ =	swait.ge [sflag:s16], $0x2000  }
0x58: {  	[sflag:s16] =	ssyncset.done $0x0  }
0x59: {  	s30 =	simm.s32 $0x5080;
	[sflag:s16] =	ssyncadd.s32 $0xFFFFE000  }
0x5a: {  	[spmem:s2] =	stream.indirect.scatter.add.f32 [tilespmem:s19], [sflag:$0x2], $0x40, s30, s18, $0xb8;
	[tilespmem:$0x1C000] =	vst v63  }
0x5b: {  	_ =	swait.ge [sflag:s17], $0x2000  }
0x5c: {  	[sflag:s17] =	ssyncset.done $0x0  }
0x5d: {  	s25 =	simm.s32 $0x200;
	[sflag:s17] =	ssyncadd.s32 $0xFFFFE000  }
0x5e: {  	[tilespmem:s15], [sflag:$0x1] =	stream.indirect.gather [hbm4b:s4+s18], $0x40, s25, s18, $0xb8;
	[tilespmem:$0x1C000] =	vst v63  }
0x5f: {  	_ =	swait.ge [sflag:s16], $0x2000  }
0x60: {  	[sflag:s16] =	ssyncset.done $0x0  }
0x61: {  	s26 =	simm.s32 $0x5100;
	[sflag:s16] =	ssyncadd.s32 $0xFFFFE000  }
0x62: {  	[spmem:s2] =	stream.indirect.scatter.add.f32 [tilespmem:s21], [sflag:$0x2], $0x40, s26, s18, $0xb8;
	[tilespmem:$0x1C000] =	vst v63  }
0x63: {  	_ =	swait.ge [sflag:s17], $0x2000  }
0x64: {  	[sflag:s17] =	ssyncset.done $0x0  }
0x65: {  	s28 =	simm.s32 $0x280;
	[sflag:s17] =	ssyncadd.s32 $0xFFFFE000  }
0x66: {  	[tilespmem:s19], [sflag:$0x1] =	stream.indirect.gather [hbm4b:s4+s18], $0x40, s28, s18, $0xb8;
	[tilespmem:$0x1C000] =	vst v63  }
0x67: {  	_ =	swait.ge [sflag:s16], $0x2000  }
0x68: {  	[sflag:s16] =	ssyncset.done $0x0  }
0x69: {  	s29 =	simm.s32 $0x5180;
	[sflag:s16] =	ssyncadd.s32 $0xFFFFE000  }
0x6a: {  	[spmem:s2] =	stream.indirect.scatter.add.f32 [tilespmem:s23], [sflag:$0x2], $0x40, s29, s18, $0xb8;
	[tilespmem:$0x1C000] =	vst v63  }
0x6b: {  	_ =	swait.ge [sflag:s17], $0x2000  }
0x6c: {  	[sflag:s17] =	ssyncset.done $0x0  }
0x6d: {  	s30 =	simm.s32 $0x300;
	[sflag:s17] =	ssyncadd.s32 $0xFFFFE000  }
0x6e: {  	[tilespmem:s21], [sflag:$0x1] =	stream.indirect.gather [hbm4b:s4+s18], $0x40, s30, s18, $0xb8;
	[tilespmem:$0x1C000] =	vst v63  }
.LBB2_4:
0x6f: {  	_ =	swait.ge [sflag:s16], $0x2000  }
0x70: {  	s24 =	sshra.s32 s22, $0x2;
	[sflag:s16] =	ssyncset.done $0x0  }
0x71: {  	s25 =	sadd.s32 $0x5200, s24;
	[sflag:s16] =	ssyncadd.s32 $0xFFFFE000  }
0x72: {  	[spmem:s2] =	stream.indirect.scatter.add.f32 [tilespmem:s15], [sflag:$0x2], $0x40, s25, s18, $0xb8;
	[tilespmem:$0x1C000] =	vst v63  }
0x73: {  	_ =	swait.ge [sflag:s17], $0x2000  }
0x74: {  	[sflag:s17] =	ssyncset.done $0x0  }
0x75: {  	s28 =	sadd.s32 $0x380, s24;
	[sflag:s17] =	ssyncadd.s32 $0xFFFFE000  }
0x76: {  	[tilespmem:s23], [sflag:$0x1] =	stream.indirect.gather [hbm4b:s4+s18], $0x40, s28, s18, $0xb8;
	[tilespmem:$0x1C000] =	vst v63  }
0x77: {  	_ =	swait.ge [sflag:s16], $0x2000  }
0x78: {  	p0 =	seq.s32 s22, $0x13000;
	[sflag:s16] =	ssyncset.done $0x0  }
0x79: {  	s29 =	sadd.s32 $0x5280, s24;
	s25 =	simm.s32 @p0 $0x1;
	[sflag:s16] =	ssyncadd.s32 $0xFFFFE000  }
0x7a: {  	[spmem:s2] =	stream.indirect.scatter.add.f32 [tilespmem:s19], [sflag:$0x2], $0x40, s29, s18, $0xb8;
	[tilespmem:$0x1C000] =	vst v63  }
0x7b: {  	_ =	swait.ge @p0 [sflag:s25], $0x2000  }
0x7c: {  	[sflag:s25] =	ssyncset.done @p0 $0x0  }
0x7d: {  	[sflag:s25] =	ssyncadd.s32 @p0 $0xFFFFE000;
	s25 =	sshra.s32 @p0 s22, $0x2  }
0x7e: {  	s26 =	simm.s32 @p0 $0x80;
	s28 =	simm.s32 @p0 $0xE000;
	s25 =	sadd.s32 @p0 $0x5300, s25  }
0x7f: {  	[spmem:s2] =	stream.indirect.scatter.add.f32 @p0 [tilespmem:s28], [sflag:$0x2], $0x40, s25, s26, $0xb8;
	[tilespmem:$0x1C000] =	vst v63  }
0x80: {  	s25 =	simm.s32 @!p0 $0x2  }
0x81: {  	_ =	swait.ge @!p0 [sflag:s25], $0x2000  }
0x82: {  	s30 =	simm.s32 @!p0 $0xA000;
	s26 =	sshra.s32 @!p0 s22, $0x2;
	[sflag:s25] =	ssyncset.done @!p0 $0x0  }
0x83: {  	s29 =	simm.s32 @!p0 $0x80;
	s28 =	sadd.s32 @!p0 $0x400, s26;
	[sflag:s25] =	ssyncadd.s32 @!p0 $0xFFFFE000  }
0x84: {  	[tilespmem:s30], [sflag:$0x1] =	stream.indirect.gather @!p0 [hbm4b:s4+s29], $0x40, s28, s29, $0xb8;
	[tilespmem:$0x1C000] =	vst v63  }
0x85: {  	s28 =	simm.s32 @!p0 $0x1  }
0x86: {  	_ =	swait.ge @!p0 [sflag:s28], $0x2000  }
0x87: {  	[sflag:s28] =	ssyncset.done @!p0 $0x0  }
0x88: {  	s30 =	simm.s32 @!p0 $0xE000;
	[sflag:s28] =	ssyncadd.s32 @!p0 $0xFFFFE000;
	s28 =	sadd.s32 @!p0 $0x5300, s26  }
0x89: {  	[spmem:s2] =	stream.indirect.scatter.add.f32 @!p0 [tilespmem:s30], [sflag:$0x2], $0x40, s28, s29, $0xb8;
	[tilespmem:$0x1C000] =	vst v63  }
0x8a: {  	_ =	swait.ge @!p0 [sflag:s25], $0x2000  }
0x8b: {  	[sflag:s25] =	ssyncset.done @!p0 $0x0  }
0x8c: {  	[sflag:s25] =	ssyncadd.s32 @!p0 $0xFFFFE000;
	s25 =	sadd.s32 @!p0 $0x480, s26;
	s26 =	simm.s32 @!p0 $0xC000  }
0x8d: {  	[tilespmem:s26], [sflag:$0x1] =	stream.indirect.gather @!p0 [hbm4b:s4+s29], $0x40, s25, s29, $0xb8;
	[tilespmem:$0x1C000] =	vst v63  }
0x8e: {  	_ =	swait.ge [sflag:s16], $0x2000  }
0x8f: {  	[sflag:s16] =	ssyncset.done $0x0  }
.Ltmp3:
0x90: {  	s30 =	sadd.s32 $0x5380, s24;
	[sflag:s16] =	ssyncadd.s32 $0xFFFFE000;
	(pc) =	sbr.rel @p0 .LBB2_6-.Ltmp3, $4  }
0x91: {  	[spmem:s2] =	stream.indirect.scatter.add.f32 [tilespmem:s23], [sflag:$0x2], $0x40, s30, s18, $0xb8;
	[tilespmem:$0x1C000] =	vst v63  }
0x92: {  	_ =	swait.ge [sflag:s17], $0x2000  }
0x93: {  	[sflag:s17] =	ssyncset.done $0x0  }
0x94: {  	[sflag:s17] =	ssyncadd.s32 $0xFFFFE000  }
.Ltmp4:
0x95: {  	(pc) =	sbr.rel .LBB2_4-.Ltmp4, $3  }
0x96: {  	_ =	sdelay $0x1  }
0x97: {  	s24 =	sadd.s32 $0x500, s24;
	s22 =	sadd.s32 $0x800, s22  }
0x98: {  	[tilespmem:s21], [sflag:$0x1] =	stream.indirect.gather [hbm4b:s4+s18], $0x40, s24, s18, $0xb8;
	[tilespmem:$0x1C000] =	vst v63  }
.LBB2_7:
0x99: {  	_ =	sfence.sel $0x180000  }
0x9a: {  	[bflag:$0x0] =	sbarrier.arrive $0xFFFF  }
0x9b: {  	_ =	strace $0x9000004D  }
0x9c: {  	s0 =	stileid.u32;
	[bflag:$0x2] =	sbarrier.arrive $0xFFFF  }
0x9d: {  	p0 =	sne.s32 s0, $0x0;
	s0 =	rddreg [dreg:$0x3]  }
0x9e: {  	s0 =	sadd.s32 @!p0 $0x100000, s0  }
0x9f: {  	[sflag:s0] =	ssyncadd.tile.s32 @!p0 $0x1;
	_ =	shalt  }
.Lfunc_end2:
_tile_overlayer_lowered:
.L_overlay_start_2:
0xa0: {  	(tag) =	ssettag $0x2  }
0xa1: {  	s0 =	rddreg [dreg:$0x0];
	s2 =	stileid.u32  }
0xa2: {  	s1 =	rddreg [dreg:$0x1];
	p0 =	sne.s32 s2, $0x0  }
0xa3: {  	s3 =	rddreg [dreg:$0x2];
	[bflag:$0x3] =	sbarrier.arrive $0xFFFF;
	s2 =	simm.s32 @!p0 $0x1C03  }
0xa4: {  	[timem:s3], [sflag:s2] =	dma.local @!p0 [hbm:s0], s1  }
0xa5: {  	s0 =	simm.s32 @!p0 $0x3  }
0xa6: {  	_ =	swait.ge @!p0 [sflag:s0], s1  }
0xa7: {  	s1 =	ssub.s32 @!p0 $0x0, s1;
	[sflag:s0] =	ssyncset.done @!p0 $0x0  }
0xa8: {  	[sflag:s0] =	ssyncadd.s32 @!p0 s1  }
0xa9: {  	[bflag:$0x3] =	sbarrier.arrive $0xFFFF  }
0xaa: {  	_ =	shalt  }

// kernel: kernel.8.cloned.1.call-start
scs
__scs_entry_jumppad:
0x0: {  	(pc) =	sbr.rel $0x88, $3  }
0x1: {  	(tag) =	ssettag $0x0;
	lr =	simm.s32 $0x1  }
0x2: {  	[smem:$0x3F9B] =	sst lr;
	_ =	strace $0xD0000000  }
0x3: {  	_ = 	snop  }
0x4: {  	_ = 	snop  }
0x5: {  	_ = 	snop  }
0x6: {  	_ = 	snop  }
0x7: {  	_ = 	snop  }
__scs_overlays_trampoline_lowered:
0x8: {  	[smem:$0x3FAA] =	sst s0  }
0x9: {  	[smem:$0x3FAB] =	sst s1  }
0xa: {  	[smem:$0x3FAC] =	sst s2  }
0xb: {  	[smem:$0x3FAD] =	sst s3  }
0xc: {  	[smem:$0x3FAE] =	sst s4  }
0xd: {  	[smem:$0x3FAF] =	sst s5  }
0xe: {  	[smem:$0x3FB0] =	sst s6  }
0xf: {  	[smem:$0x3FB1] =	sst s7  }
0x10: {  	[smem:$0x3FB2] =	sst s8  }
0x11: {  	[smem:$0x3FB3] =	sst s9;
	s0 =	simm.s32 @!p0 $0x0  }
0x12: {  	s1 =	sld [smem:$0x3F99];
	s0 =	simm.s32 @p0 $0x1  }
0x13: {  	[smem:$0x3FB4] =	sst s0;
	s0 =	simm.s32 @!p1 $0x0  }
0x14: {  	s2 =	sld [smem:$0x3F98];
	s0 =	simm.s32 @p1 $0x1  }
0x15: {  	[smem:$0x3FB5] =	sst s0;
	s0 =	simm.s32 @!p2 $0x0  }
0x16: {  	s3 =	sld [smem:$0x3FDB];
	s0 =	simm.s32 @p2 $0x1  }
0x17: {  	s4 =	simm.s32 $0x1BF5;
	[smem:$0x3FB7] =	sst s0  }
0x18: {  	s0 =	sld [smem:$0x3F9A];
	_ =	swait.ge [sflag:s4], $0x0  }
0x19: {  	s7 =	sld [smem:$0x3F9B]  }
0x1a: {  	s8 =	sadd.s32 $0xFFFFE003, lr  }
0x1b: {  	s9 =	sadd.s32 $0xFFFFFEF7, lr;
	s5 =	simm.s32 $0xFFFFFFFF;
	p2 =	slt.u32 s8, $0xFFFFF086  }
0x1c: {  	p1 =	slt.u32 s9, $0xF7A;
	s5 =	simm.s32 @!p2 $0x0  }
0x1d: {  	s5 =	simm.s32 @p1 $0x1;
	p0 =	seq.s32 s7, s2  }
0x1e: {  	s7 =	smul.u32 @!p0 $0xF7A, s2;
	p2 =	seq.s32 @!p0 s5, $0x0  }
0x1f: {  	s9 =	smul.u32 $0xF7A, s1;
	s8 =	simm.s32 @!p0 $0x1BF5;
	p2 =	por !p2, p0  }
0x20: {  	[sflag:s8] =	ssyncset.s32 @!p0 $0xFFFFF086;
	s6 =	sadd.s32 @!p0 s3, s7;
	s7 =	simm.s32 @!p0 $0x108  }
0x21: {  	s3 =	sadd.s32 s3, s9;
	s6 =	sadd.s32 @!p0 $0x88, s6;
	s7 =	simm.s32 @p2 $0x1082  }
0x22: {  	[simem:s7], [sflag:s8] =	dma.local @!p0 [hbm:s6], $0xF7A  }
0x23: {  	s9 =	sor.u32 $0xD0000000, s2;
	s6 =	simm.s32 $0x108;
	_ =	swait.ge @!p0 [sflag:s8], $0x0  }
0x24: {  	s3 =	sadd.s32 $0x88, s3;
	s6 =	simm.s32 @!p1 $0x1082;
	[sflag:s4] =	ssyncset.s32 $0xFFFFF086  }
0x25: {  	[simem:s6], [sflag:s4] =	dma.local [hbm:s3], $0xF7A  }
0x26: {  	[smem:$0x3F9B] =	sst s1;
	(tag) =	ssettag s2;
	_ =	strace s9  }
0x27: {  	s1 =	sld [smem:$0x3FAB]  }
0x28: {  	s2 =	sld [smem:$0x3FAC]  }
0x29: {  	s4 =	sld [smem:$0x3FAE]  }
0x2a: {  	p0 =	seq.s32 s5, $0x0;
	s5 =	sld [smem:$0x3FAF]  }
0x2b: {  	s6 =	sld [smem:$0x3FB0]  }
0x2c: {  	s7 =	sld [smem:$0x3FB1]  }
0x2d: {  	s3 =	simm.s32 $0x108;
	s8 =	sld [smem:$0x3FB2]  }
0x2e: {  	s3 =	simm.s32 @!p0 $0x1082;
	s9 =	sld [smem:$0x3FB3]  }
0x2f: {  	lr =	sadd.s32 s0, s3;
	s0 =	sld [smem:$0x3FAA]  }
0x30: {  	s3 =	sld [smem:$0x3FAD]  }
0x31: {  	[smem:$0x3FB6] =	sst s10  }
0x32: {  	s10 =	sld [smem:$0x3FB4];
	_ =	sdelay $0x3  }
0x33: {  	p0 =	seq.s32 s10, $0x1;
	s10 =	sld [smem:$0x3FB6];
	_ =	sdelay $0x3  }
0x34: {  	[smem:$0x3FB6] =	sst s10  }
0x35: {  	s10 =	sld [smem:$0x3FB5];
	_ =	sdelay $0x3  }
0x36: {  	p1 =	seq.s32 s10, $0x1;
	s10 =	sld [smem:$0x3FB6];
	_ =	sdelay $0x3  }
0x37: {  	[smem:$0x3FB6] =	sst s10  }
0x38: {  	s10 =	sld [smem:$0x3FB7]  }
0x39: {  	_ = 	snop;
	(pc) =	sbr.ind lr, $3  }
0x3a: {  	_ = 	snop  }
0x3b: {  	_ = 	snop  }
0x3c: {  	p2 =	seq.s32 s10, $0x1;
	s10 =	sld [smem:$0x3FB6]  }
0x3d: {  	_ =	shalt  }
0x3e: {  	_ =	shalt  }
0x3f: {  	_ =	shalt  }
0x40: {  	_ =	shalt  }
0x41: {  	_ =	shalt  }
0x42: {  	_ =	shalt  }
0x43: {  	_ =	shalt  }
0x44: {  	_ =	shalt  }
0x45: {  	_ =	shalt  }
0x46: {  	_ =	shalt  }
0x47: {  	_ =	shalt  }
0x48: {  	_ =	shalt  }
0x49: {  	_ =	shalt  }
0x4a: {  	_ =	shalt  }
0x4b: {  	_ =	shalt  }
0x4c: {  	_ =	shalt  }
0x4d: {  	_ =	shalt  }
0x4e: {  	_ =	shalt  }
0x4f: {  	_ =	shalt  }
0x50: {  	_ =	shalt  }
0x51: {  	_ =	shalt  }
0x52: {  	_ =	shalt  }
0x53: {  	_ =	shalt  }
0x54: {  	_ =	shalt  }
0x55: {  	_ =	shalt  }
0x56: {  	_ =	shalt  }
0x57: {  	_ =	shalt  }
0x58: {  	_ =	shalt  }
0x59: {  	_ =	shalt  }
0x5a: {  	_ =	shalt  }
0x5b: {  	_ =	shalt  }
0x5c: {  	_ =	shalt  }
0x5d: {  	_ =	shalt  }
0x5e: {  	_ =	shalt  }
0x5f: {  	_ =	shalt  }
0x60: {  	_ =	shalt  }
0x61: {  	_ =	shalt  }
0x62: {  	_ =	shalt  }
0x63: {  	_ =	shalt  }
0x64: {  	_ =	shalt  }
0x65: {  	_ =	shalt  }
0x66: {  	_ =	shalt  }
0x67: {  	_ =	shalt  }
0x68: {  	_ =	shalt  }
0x69: {  	_ =	shalt  }
0x6a: {  	_ =	shalt  }
0x6b: {  	_ =	shalt  }
0x6c: {  	_ =	shalt  }
0x6d: {  	_ =	shalt  }
0x6e: {  	_ =	shalt  }
0x6f: {  	_ =	shalt  }
0x70: {  	_ =	shalt  }
0x71: {  	_ =	shalt  }
0x72: {  	_ =	shalt  }
0x73: {  	_ =	shalt  }
0x74: {  	_ =	shalt  }
0x75: {  	_ =	shalt  }
0x76: {  	_ =	shalt  }
0x77: {  	_ =	shalt  }
0x78: {  	_ =	shalt  }
0x79: {  	_ =	shalt  }
0x7a: {  	_ =	shalt  }
0x7b: {  	_ =	shalt  }
0x7c: {  	_ =	shalt  }
0x7d: {  	_ =	shalt  }
0x7e: {  	_ =	shalt  }
0x7f: {  	_ =	shalt  }
0x80: {  	_ =	shalt  }
0x81: {  	_ =	shalt  }
0x82: {  	_ =	shalt  }
0x83: {  	_ =	shalt  }
0x84: {  	_ =	shalt  }
0x85: {  	_ =	shalt  }
0x86: {  	_ =	shalt  }
0x87: {  	_ =	shalt  }
.Lfunc_end0:
.L_simem_size_0:
called_computation_lowered:
.L_overlay_start_0:
0x88: {  	s2 =	sld [smem:$0x3FD9]  }
0x89: {  	s3 =	sld [smem:$0x3FFE];
	_ =	sdelay $0x1  }
0x8a: {  	s1 =	srdreg.scid  }
0x8b: {  	s0 =	sand.u32 $0x1, s1  }
0x8c: {  	s16 =	sshll.u32 s0, $0xA;
	s2 =	sadd.s32 s3, s2  }
0x8d: {  	s2 =	sadd.s32 s2, s16  }
0x8e: {  	[smem:$0x3FC2] =	sst s2  }
0x8f: {  	_ = 	snop  }
0x90: {  	(tm) =	ssettm $0x1  }
0x91: {  	s17 =	sld [smem:$0x3FFB];
	_ =	sdelay $0x3  }
0x92: {  	_ =	strace s17  }
0x93: {  	s2 =	sld [smem:$0x3FFC];
	_ =	sdelay $0x3  }
0x94: {  	_ =	strace s2  }
0x95: {  	s2 =	sld [smem:$0x3FFD];
	_ =	sdelay $0x3  }
0x96: {  	_ =	strace s2  }
0x97: {  	_ =	strace $0x8FFFFFFF  }
0x98: {  	s18 =	sld [smem:$0x3FDB];
	_ =	sdelay $0x1  }
0x99: {  	s19 =	simm.s32 $_scs_section_size  }
0x9a: {  	s4 =	simm.s32 $_size__tile_overlayer_lowered;
	s5 =	simm.s32 $_tile_overlayer_lowered  }
0x9b: {  	s22 =	simm.s32 $0x1BFF;
	s21 =	sshll.u32 s5, $0x1;
	s2 =	sadd.s32 s19, s18  }
0x9c: {  	s6 =	simm.s32 $0x0;
	s20 =	sshll.u32 s4, $0x1;
	s4 =	sadd.s32 s21, s2  }
0x9d: {  	[timem:s6], [sflag:s22] =	dma.local [hbm:s4], s20  }
0x9e: {  	_ =	swait.ge [sflag:s22], s20  }
0x9f: {  	s3 =	ssub.s32 $0x0, s20;
	[sflag:s22] =	ssyncset.done $0x0  }
0xa0: {  	[sflag:s22] =	ssyncadd.s32 s3;
	_ =	sdelay $0x1  }
0xa1: {  	s23 =	simm.s32 $0x1B8B  }
0xa2: {  	_ =	swait.ge [sflag:s23], $0x1  }
0xa3: {  	[sflag:s23] =	ssyncset.done $0x0  }
0xa4: {  	s25 =	simm.s32 $0x1B8E;
	s24 =	sld [smem:$0x3FFE];
	[sflag:s23] =	ssyncadd.s32 $0xFFFFFFFF  }
0xa5: {  	s26 =	simm.s32 $execute0_lowered;
	[smem:$0x3FD2] =	sst s25  }
0xa6: {  	s4 =	sshll.u32 s26, $0x1;
	_ =	strace $0x80000046;
	[dreg:$0x1] =	wrdreg $0xFFFFFFFF  }
0xa7: {  	s28 =	simm.s32 $_size_execute0_lowered;
	s2 =	sadd.s32 s2, s4;
	[dreg:$0x0] =	wrdreg $0x0  }
0xa8: {  	s4 =	sshll.u32 s28, $0x1;
	[dreg:$0x2] =	wrdreg s2  }
0xa9: {  	[dreg:$0x3] =	wrdreg s4  }
0xaa: {  	[dreg:$0x4] =	wrdreg $0xC0  }
0xab: {  	_ =	task [dreg:s6], $0x5FFFF  }
0xac: {  	[dreg:$0x1] =	wrdreg $0xFFFFFFFF  }
0xad: {  	[dreg:$0x0] =	wrdreg $0x60  }
0xae: {  	[dreg:$0x2] =	wrdreg s24  }
0xaf: {  	[dreg:$0x3] =	wrdreg $0x53000  }
0xb0: {  	[dreg:$0x4] =	wrdreg $0x55800  }
0xb1: {  	[dreg:$0x5] =	wrdreg $0x9  }
0xb2: {  	_ =	task.clear_ibuf [dreg:s6], $0x6FFFF;
	_ =	strace $0x90000046  }
0xb3: {  	s29 =	simm.s32 $0x9;
	_ =	strace $0x80000048  }
0xb4: {  	_ =	swait.ge [sflag:s29], $0x1  }
0xb5: {  	[sflag:s29] =	ssyncadd.s32 $0xFFFFFFFF  }
0xb6: {  	_ =	strace $0x90000048  }
0xb7: {  	_ =	sfence  }
0xb8: {  	s30 =	sld [smem:$0x0];
	_ =	sdelay $0x2  }
0xb9: {  	s31 =	sshll.u32 s1, $0xD;
	s1 =	sshrl.u32 s1, $0x2  }
0xba: {  	s3 =	sand.u32 $0x4000, s31;
	s1 =	sadd.s32 s1, s30  }
0xbb: {  	s0 =	sor.u32 s3, s0;
	s1 =	sshll.u32 s1, $0x11  }
0xbc: {  	s0 =	sor.u32 s1, s0  }
0xbd: {  	s0 =	sadd.s32 $0x8F2B, s0  }
0xbe: {  	[sflag:s0] =	ssyncadd.remote.s32 $0x1  }
0xbf: {  	_ =	sfence.sel $0xFFFF  }
0xc0: {  	[dreg:$0x0] =	wrdreg $0xFFFFFFFF;
	(pc) =	sbr.abs _section_cstart, $3  }
0xc1: {  	[dreg:$0x1] =	wrdreg $0xFFFFFFFF  }
0xc2: {  	_ =	task.clear_ibuf [dreg:s6], $0x2FFFF;
	_ =	strace $0x9FFFFFFF  }
0xc3: {  	(tm) =	ssettm $0x7FFFFFFF  }
tec
execute0_lowered:
.L_overlay_start_1:
0x0: {  	(tag) =	ssettag $0x1  }
0x1: {  	s5 =	rddreg [dreg:$0x0]  }
0x2: {  	s1 =	srdreg.scid;
	s2 =	rddreg [dreg:$0x1]  }
0x3: {  	s0 =	stileid.u32;
	s3 =	rddreg [dreg:$0x2];
	s4 =	simm.s32 $0x0  }
0x4: {  	s13 =	simm.s32 $0x5080;
	s14 =	simm.s32 $0x2;
	s15 =	simm.s32 $0x1  }
0x5: {  	s16 =	simm.s32 $0x80;
	s17 =	simm.s32 $0x5000;
	s20 =	simm.s32 $0x20  }
0x6: {  	s21 =	simm.s32 $0x10;
	s22 =	simm.s32 $0x0;
	s6 =	sand.u32 $0x1, s1  }
0x7: {  	s30 =	sshll.u32 s0, $0x1;
	s1 =	rddreg [dreg:$0x3];
	s8 =	smul.u32 $0x500, s0  }
0x8: {  	[smem:$0x7FF] =	sst s4;
	s10 =	smul.u32 $0x280, s0;
	s18 =	sshll.u32 s0, $0x6  }
0x9: {  	s7 =	sor.u32 s6, s30;
	_ =	strace $0x80000047;
	s9 =	sshll.u32 s6, $0x7  }
0xa: {  	s6 =	ssub.s32 $0x2, s6;
	s7 =	smul.u32 $0x500, s7;
	s8 =	sor.u32 s9, s8  }
0xb: {  	s18 =	sor.u32 $0x1C02, s18;
	s31 =	sshrl.u32 s6, $0x1;
	s8 =	sshrl.u32 s8, $0x3  }
0xc: {  	s12 =	ssub.s32 s6, s31;
	s7 =	sadd.s32 s7, s5;
	s11 =	sadd.s32 s8, s5  }
0xd: {  	s8 =	sadd.s32 s10, s3;
	s5 =	sadd.s32 $0x2400, s7;
	s6 =	sadd.s32 $0xC400, s7  }
0xe: {  	s7 =	sadd.s32 s10, s2;
	s9 =	sadd.s32 $0x16400, s11;
	s10 =	sadd.s32 $0x16E00, s11  }
0xf: {  	v0 =	vimm.f32 $1.000000000e+00;
	v1 =	vimm.f32 $0.0e+00;
	s11 =	smax.u32 s12, $0x1;
	s12 =	simm.s32 $0x2800;
	s19 =	sshrl.u32 s7, $0x3  }
.LBB2_1:
0x10: {  	[tilespmem:s4], [sflag:$0x1] =	stream.linear.gather [hbm4b:s5+s4], $0x2780, $0x38;
	[tilespmem:$0x5800] =	vst v63  }
0x11: {  	_ = 	snop  }
0x12: {  	[tilespmem:s12], [sflag:$0x1] =	stream.linear.gather [hbm4b:s6+s4], $0x2780, $0x38;
	[tilespmem:$0x5800] =	vst v63  }
0x13: {  	[tilespmem:$0x5000] =	vst v0  }
0x14: {  	[tilespmem:$0x5010] =	vst v0  }
0x15: {  	[tilespmem:$0x5020] =	vst v0  }
0x16: {  	[tilespmem:$0x5030] =	vst v0  }
0x17: {  	[tilespmem:$0x5040] =	vst v0  }
0x18: {  	[tilespmem:$0x5050] =	vst v0  }
0x19: {  	[tilespmem:$0x5060] =	vst v0  }
0x1a: {  	[tilespmem:$0x5070] =	vst v0  }
0x1b: {  	[tilespmem:$0x5080] =	vst v1  }
0x1c: {  	[tilespmem:$0x5090] =	vst v1  }
0x1d: {  	[tilespmem:$0x50A0] =	vst v1  }
0x1e: {  	[tilespmem:$0x50B0] =	vst v1  }
0x1f: {  	[tilespmem:$0x50C0] =	vst v1  }
0x20: {  	[tilespmem:$0x50D0] =	vst v1  }
0x21: {  	[tilespmem:$0x50E0] =	vst v1  }
0x22: {  	[tilespmem:$0x50F0] =	vst v1  }
0x23: {  	[tilespmem:$0x5100] =	vst v1  }
0x24: {  	[tilespmem:$0x5110] =	vst v1  }
0x25: {  	[tilespmem:$0x5120] =	vst v1  }
0x26: {  	[tilespmem:$0x5130] =	vst v1  }
0x27: {  	[tilespmem:$0x5140] =	vst v1  }
0x28: {  	[tilespmem:$0x5150] =	vst v1  }
0x29: {  	[tilespmem:$0x5160] =	vst v1  }
0x2a: {  	[tilespmem:$0x5170] =	vst v1  }
0x2b: {  	[tilespmem:$0x5180] =	vst v1  }
0x2c: {  	[tilespmem:$0x5190] =	vst v1  }
0x2d: {  	[tilespmem:$0x51A0] =	vst v1  }
0x2e: {  	[tilespmem:$0x51B0] =	vst v1  }
0x2f: {  	[tilespmem:$0x51C0] =	vst v1  }
0x30: {  	[tilespmem:$0x51D0] =	vst v1  }
0x31: {  	[tilespmem:$0x51E0] =	vst v1  }
0x32: {  	[tilespmem:$0x51F0] =	vst v1  }
0x33: {  	[tilespmem:$0x5200] =	vst v1  }
0x34: {  	[tilespmem:$0x5210] =	vst v1  }
0x35: {  	[tilespmem:$0x5220] =	vst v1  }
0x36: {  	[tilespmem:$0x5230] =	vst v1  }
0x37: {  	[tilespmem:$0x5240] =	vst v1  }
0x38: {  	[tilespmem:$0x5250] =	vst v1  }
0x39: {  	[tilespmem:$0x5260] =	vst v1  }
0x3a: {  	[tilespmem:$0x5270] =	vst v1  }
0x3b: {  	[tilespmem:$0x5280] =	vst v1  }
0x3c: {  	[tilespmem:$0x5290] =	vst v1  }
0x3d: {  	[tilespmem:$0x52A0] =	vst v1  }
0x3e: {  	[tilespmem:$0x52B0] =	vst v1  }
0x3f: {  	[tilespmem:$0x52C0] =	vst v1  }
0x40: {  	[tilespmem:$0x52D0] =	vst v1  }
0x41: {  	[tilespmem:$0x52E0] =	vst v1  }
0x42: {  	[tilespmem:$0x52F0] =	vst v1  }
0x43: {  	[spmem:s7] =	stream.linear.scatter [tilespmem:s13], [sflag:$0x2], $0x280, $0x38;
	[tilespmem:$0x5800] =	vst v63  }
0x44: {  	_ =	swait.ge [sflag:s14], $0x280  }
0x45: {  	[sflag:s14] =	ssyncset.done $0x0  }
0x46: {  	[sflag:s14] =	ssyncadd.s32 $0xFFFFFD80  }
0x47: {  	[spmem:s8] =	stream.linear.scatter [tilespmem:s13], [sflag:$0x2], $0x280, $0x38;
	[tilespmem:$0x5800] =	vst v63  }
0x48: {  	_ =	swait.ge [sflag:s14], $0x280  }
0x49: {  	[sflag:s14] =	ssyncset.done $0x0  }
0x4a: {  	[sflag:s14] =	ssyncadd.s32 $0xFFFFFD80  }
0x4b: {  	_ =	swait.ge [sflag:s15], $0x2780  }
0x4c: {  	[sflag:s15] =	ssyncset.done $0x0  }
0x4d: {  	[sflag:s15] =	ssyncadd.s32 $0xFFFFD880  }
0x4e: {  	_ =	swait.ge [sflag:s15], $0x2780  }
0x4f: {  	[sflag:s15] =	ssyncset.done $0x0  }
0x50: {  	[sflag:s15] =	ssyncadd.s32 $0xFFFFD880  }
0x51: {  	s23 =	simm.s32 $0x0;
	[bflag:$0x0] =	sbarrier.arrive $0xFFFF  }
0x52: {  	[spmem:s2] =	stream.indirect.scatter.add.f32 [tilespmem:s17], [sflag:$0x1], $0x1, s23, s16, $0xb8;
	[tilespmem:$0x5800] =	vst v63  }
0x53: {  	s24 =	simm.s32 $0x2800;
	s23 =	simm.s32 $0x200  }
.LBB2_2:
0x54: {  	[spmem:s3] =	stream.indirect.scatter.add.f32 [tilespmem:s17], [sflag:$0x1], $0x1, s24, s16, $0xb8;
	[tilespmem:$0x5800] =	vst v63  }
0x55: {  	s24 =	smov.u32 s23;
	p0 =	sne.s32 s23, $0x9C00  }
.Ltmp0:
0x56: {  	s23 =	sadd.s32 $0x200, s23;
	(pc) =	sbr.rel @p0 .LBB2_2-.Ltmp0, $4  }
0x57: {  	_ = 	snop  }
0x58: {  	s24 =	sshra.s32 s24, $0x2  }
0x59: {  	[spmem:s2] =	stream.indirect.scatter.add.f32 [tilespmem:s17], [sflag:$0x1], $0x1, s24, s16, $0xb8;
	[tilespmem:$0x5800] =	vst v63  }
0x5a: {  	s24 =	sadd.s32 $0x2800, s24  }
0x5b: {  	[spmem:s3] =	stream.indirect.scatter.add.f32 [tilespmem:s17], [sflag:$0x1], $0x1, s24, s16, $0xb8;
	[tilespmem:$0x5800] =	vst v63  }
0x5c: {  	_ =	swait.ge [sflag:s15], $0x80  }
0x5d: {  	[sflag:s15] =	ssyncset.done $0x0  }
0x5e: {  	[sflag:s15] =	ssyncadd.s32 $0xFFFFFF80  }
0x5f: {  	_ =	swait.ge [sflag:s15], $0x80  }
0x60: {  	s23 =	simm.s32 $0x4E;
	[sflag:s15] =	ssyncset.done $0x0  }
.LBB2_4:
0x61: {  	p0 =	sne.s32 s23, $0x1;
	s23 =	sadd.s32 $0xFFFFFFFF, s23;
	[sflag:s15] =	ssyncadd.s32 $0xFFFFFF80  }
.Ltmp1:
0x62: {  	_ =	swait.ge [sflag:s15], $0x80;
	(pc) =	sbr.rel @p0 .LBB2_4-.Ltmp1, $4  }
0x63: {  	[sflag:s15] =	ssyncset.done $0x0  }
0x64: {  	[sflag:s15] =	ssyncadd.s32 $0xFFFFFF80  }
0x65: {  	_ =	swait.ge [sflag:s15], $0x80  }
0x66: {  	[sflag:s15] =	ssyncset.done $0x0  }
0x67: {  	[sflag:s15] =	ssyncadd.s32 $0xFFFFFF80  }
0x68: {  	[bflag:$0x0] =	sbarrier.arrive $0xFFFF  }
0x69: {  	[hbm:s9@s20], [sflag:s18] =	dma.strided [spmem:s19@s21], $0x50, s15, $0x10   }
0x6a: {  	s22 =	sadd.s32 $0x1, s22;
	_ =	swait.ge [sflag:s14], $0x50  }
0x6b: {  	p0 =	sne.s32 s22, s11;
	[sflag:s14] =	ssyncset.done $0x0  }
.Ltmp2:
0x6c: {  	s23 =	sshrl.u32 s8, $0x3;
	[sflag:s14] =	ssyncadd.s32 $0xFFFFFFB0;
	(pc) =	sbr.rel @p0 .LBB2_1-.Ltmp2, $4  }
0x6d: {  	[hbm:s10@s20], [sflag:s18] =	dma.strided [spmem:s23@s21], $0x50, s15, $0x10   }
0x6e: {  	_ =	swait.ge [sflag:s14], $0x50  }
0x6f: {  	[sflag:s14] =	ssyncset.done $0x0  }
0x70: {  	[sflag:s14] =	ssyncadd.s32 $0xFFFFFFB0  }
0x71: {  	_ =	sfence.sel $0x180000  }
0x72: {  	[bflag:$0x0] =	sbarrier.arrive $0xFFFF  }
0x73: {  	p0 =	sne.s32 s0, $0x0;
	_ =	strace $0x90000047  }
0x74: {  	s0 =	sadd.s32 @!p0 $0x100000, s1;
	[bflag:$0x2] =	sbarrier.arrive $0xFFFF  }
0x75: {  	[sflag:s0] =	ssyncadd.tile.s32 @!p0 $0x1;
	_ =	shalt  }
.Lfunc_end2:
_tile_overlayer_lowered:
.L_overlay_start_2:
0x76: {  	(tag) =	ssettag $0x2  }
0x77: {  	s0 =	rddreg [dreg:$0x0];
	s2 =	stileid.u32  }
0x78: {  	s1 =	rddreg [dreg:$0x1];
	p0 =	sne.s32 s2, $0x0  }
0x79: {  	s3 =	rddreg [dreg:$0x2];
	[bflag:$0x3] =	sbarrier.arrive $0xFFFF;
	s2 =	simm.s32 @!p0 $0x1C02  }
0x7a: {  	[timem:s3], [sflag:s2] =	dma.local @!p0 [hbm:s0], s1  }
0x7b: {  	s0 =	simm.s32 @!p0 $0x2  }
0x7c: {  	_ =	swait.ge @!p0 [sflag:s0], s1  }
0x7d: {  	s1 =	ssub.s32 @!p0 $0x0, s1;
	[sflag:s0] =	ssyncset.done @!p0 $0x0  }
0x7e: {  	[sflag:s0] =	ssyncadd.s32 @!p0 s1  }
0x7f: {  	[bflag:$0x3] =	sbarrier.arrive $0xFFFF  }
0x80: {  	_ =	shalt  }

</sc_bundles>
